<compile_context>
chip_gen: v7x
topology: tpu7x:2x2x1
jax: 0.10.2.dev20260603
libtpu: 0.0.44.dev20260713+nightly
codegen_flags: <defaults>
</compile_context>

<pallas_src>
import functools
import math

import jax
import jax.numpy as jnp
from jax import lax
from jax.experimental import pallas as pl
from jax.experimental.pallas import tpu as pltpu
from jax.experimental.pallas import tpu_sc as plsc

D = 64
LANES = 16
SUB = 40
RB = 2
NC, NS = 2, 16
NW = NC * NS
SCALE = float(math.sqrt(D))


def kernel(x, word_table, pos_table):
    B, J = x.shape
    V = word_table.shape[0]
    assert J == 200 and word_table.shape[1] == D
    n_sub = J // SUB
    stages = B // (NW * RB)
    assert stages * NW * RB == B and stages % 2 == 0
    BUF = RB * J

    mesh = plsc.VectorSubcoreMesh(core_axis_name="c", subcore_axis_name="s")

    @functools.partial(
        pl.kernel,
        out_type=jax.ShapeDtypeStruct((B, J, 2 * D), jnp.float32),
        mesh=mesh,
        compiler_params=pltpu.CompilerParams(use_tc_tiling_on_sc=True),
        scratch_types=[
            pltpu.VMEM((2 * BUF,), jnp.int32),
            pltpu.VMEM((2 * BUF, 2 * D), jnp.float32),
            pltpu.VMEM((J * D,), jnp.float32),
            pltpu.SemaphoreType.DMA,
            pltpu.SemaphoreType.DMA,
            pltpu.SemaphoreType.DMA,
            pltpu.SemaphoreType.DMA,
        ],
    )
    def run(x_hbm, wt_hbm, pos_hbm, out_hbm,
            idx_v, rows_v, pos_v, gsem_a, gsem_b, osem_a, osem_b):
        wid = lax.axis_index("s") * NC + lax.axis_index("c")
        pltpu.sync_copy(pos_hbm, pos_v)
        base = wid * stages

        def fetch(s, cb, gsem):
            b0 = (base + s) * RB
            pltpu.sync_copy(x_hbm.at[pl.ds(b0 * J, BUF)],
                            idx_v.at[pl.ds(cb, BUF)])
            for r in range(RB):
                for c in range(n_sub):
                    off = cb + r * J + c * SUB
                    pltpu.async_copy(
                        wt_hbm.at[idx_v.at[pl.ds(off, SUB)]],
                        rows_v.at[pl.ds(off, SUB)],
                        gsem,
                    )

        def drain(sem):
            pltpu.make_async_copy(
                wt_hbm.at[pl.ds(0, BUF)], rows_v.at[pl.ds(0, BUF)], sem
            ).wait()

        def compute_and_flush(s, cb, osem):
            def body(j, c):
                p = [pos_v[pl.ds(j * D + g * LANES, LANES)]
                     for g in range(D // LANES)]
                for r in range(RB):
                    k = cb + r * J + j
                    for g in range(D // LANES):
                        sl = pl.ds(g * LANES, LANES)
                        rows_v[k, sl] = (rows_v[k, sl] + p[g]) * SCALE
                return c

            lax.fori_loop(0, J, body, 0)
            b0 = (base + s) * RB
            for r in range(RB):
                pltpu.async_copy(
                    rows_v.at[pl.ds(cb + r * J, J)], out_hbm.at[b0 + r], osem)

        fetch(0, 0, gsem_a)

        def pair(s2, carry):
            s = 2 * s2
            lax.cond(s2 > 0, lambda: drain(osem_b), lambda: None)
            fetch(s + 1, BUF, gsem_b)
            drain(gsem_a)
            compute_and_flush(s, 0, osem_a)
            drain(osem_a)
            fetch(jnp.minimum(s + 2, stages - 1), 0, gsem_a)
            drain(gsem_b)
            compute_and_flush(s + 1, BUF, osem_b)
            return carry

        lax.fori_loop(0, stages // 2, pair, 0)
        drain(gsem_a)
        drain(osem_b)

    wt_pad = jnp.pad(word_table, ((0, 0), (0, D)))
    out = run(x.reshape(-1), wt_pad, pos_table.reshape(-1))
    return out[:, :, :D]

# --- scband reference (transcript-rebuilt; emitter-appended) ---
"""Pipeline reference for scband-positional-embedding-3384434230190 (READ-ONLY COPY).

The authoritative reference and input builder live on the scoring server;
editing this copy changes nothing except your own understanding.
"""

import math
import jax, jax.numpy as jnp
import numpy as np

V = 1000000
MODEL_DIM = 64
MAXI = 200
PAD_INDEX = 0


def setup_inputs(seed: int = 0) -> dict:
    key = jax.random.key(seed)
    k1, k2, k3 = jax.random.split(key, 3)
    x = jax.random.randint(k1, (4096, 200), 0, V, dtype=jnp.int64 if jax.config.jax_enable_x64 else jnp.int32).astype(jnp.int32)
    word_table = jax.random.normal(k2, (V, MODEL_DIM), dtype=jnp.float32)
    # torch nn.Embedding with padding_idx zeroes that row at init
    word_table = word_table.at[PAD_INDEX].set(0.0)
    pos_table = jax.random.normal(k3, (MAXI, MODEL_DIM), dtype=jnp.float32)
    return {"x": x, "word_table": word_table, "pos_table": pos_table}


def reference(x, word_table, pos_table):
    B, J = x.shape
    D = MODEL_DIM
    # word embedding lookup; mask enforces padding_idx semantics (row stays zero)
    emb = jnp.take(word_table, x, axis=0)
    mask = (x != PAD_INDEX).astype(emb.dtype)[:, :, None]
    emb = emb * mask
    # positional embedding: rng[:J] lookup, broadcast over batch
    pos = jnp.take(pos_table, jnp.arange(J), axis=0)
    out = emb + pos[None, :, :]
    out = out * math.sqrt(D)
    # dropout p=0.0 -> identity (eval semantics)
    return out

if __name__ == "__main__":
    import jax
    _d = setup_inputs()
    print(jax.jit(kernel)(*tuple(_d.values())))

</pallas_src>

<mosaic_0001>
#map = affine_map<(d0, d1) -> (0)>
#map1 = affine_map<(d0, d1) -> (0, 0)>
#map2 = affine_map<(d0, d1) -> (0, 0, 0)>
module attributes {stable_mosaic.version = 14 : i64} {
  func.func @run(%arg0: i32, %arg1: i32, %arg2: memref<819200xi32, #tpu.memory_space<hbm>>, %arg3: memref<1000000x128xf32, #tpu.memory_space<hbm>>, %arg4: memref<12800xf32, #tpu.memory_space<hbm>>, %arg5: memref<4096x200x128xf32, #tpu.memory_space<hbm>>, %arg6: memref<800xi32, #tpu.memory_space<vmem>>, %arg7: memref<800x128xf32, #tpu.memory_space<vmem>>, %arg8: memref<12800xf32, #tpu.memory_space<vmem>>, %arg9: memref<!tpu.dma_semaphore, #tpu.memory_space<semaphore_mem>>, %arg10: memref<!tpu.dma_semaphore, #tpu.memory_space<semaphore_mem>>, %arg11: memref<!tpu.dma_semaphore, #tpu.memory_space<semaphore_mem>>, %arg12: memref<!tpu.dma_semaphore, #tpu.memory_space<semaphore_mem>>) attributes {dimension_semantics = [#tpu.dimension_semantics<core_parallel>, #tpu.dimension_semantics<subcore_parallel>], iteration_bounds = array<i64: 2, 16>, scalar_prefetch = 0 : i64, scratch_operands = 7 : i64, tpu.core_type = #tpu.core_type<sc_vector_subcore>, window_params = [{transform_indices = #map}, {transform_indices = #map1}, {transform_indices = #map}, {transform_indices = #map2}]} {
    %mul3A = arith.constant 2 : i32
    %mul3A_0 = arith.muli %arg1, %mul3A : i32
    %add3A = arith.addi %mul3A_0, %arg0 : i32
    "tpu.region"() ({
      %run_scoped3A = tpu.sem_alloc : memref<!tpu.dma_semaphore, #tpu.memory_space<semaphore_mem>>
      tpu.enqueue_dma source(%arg4 : memref<12800xf32, #tpu.memory_space<hbm>>) target(%arg8 : memref<12800xf32, #tpu.memory_space<vmem>>) target_semaphore(%run_scoped3A : memref<!tpu.dma_semaphore, #tpu.memory_space<semaphore_mem>>)
      tpu.wait_dma2 semaphore(%run_scoped3A : memref<!tpu.dma_semaphore, #tpu.memory_space<semaphore_mem>>) src(%arg4 : memref<12800xf32, #tpu.memory_space<hbm>>) dst(%arg8 : memref<12800xf32, #tpu.memory_space<vmem>>)
      tpu.yield
    }) : () -> ()
    %mul3A_1 = arith.constant 64 : i32
    %mul3A_2 = arith.muli %add3A, %mul3A_1 : i32
    %add3A_3 = arith.constant 0 : i32
    %add3A_4 = arith.addi %mul3A_2, %add3A_3 : i32
    %mul3A_5 = arith.constant 2 : i32
    %mul3A_6 = arith.muli %add3A_4, %mul3A_5 : i32
    %mul3A_7 = arith.constant 200 : i32
    %mul3A_8 = arith.muli %mul3A_6, %mul3A_7 : i32
    "tpu.region"() ({
      %run_scoped3A = tpu.sem_alloc : memref<!tpu.dma_semaphore, #tpu.memory_space<semaphore_mem>>
      %dma_start3A_116 = arith.constant 0 : i32
      %dma_start3A_117 = tpu.memref_slice %arg6[%dma_start3A_116] : memref<800xi32, #tpu.memory_space<vmem>> -> memref<400xi32, #tpu.memory_space<vmem>>
      %dma_start3A_118 = tpu.memref_slice %arg2[%mul3A_8] : memref<819200xi32, #tpu.memory_space<hbm>> -> memref<400xi32, #tpu.memory_space<hbm>>
      %dma_start3A_119 = arith.constant 0 : i32
      %dma_start3A_120 = tpu.memref_slice %arg6[%dma_start3A_119] : memref<800xi32, #tpu.memory_space<vmem>> -> memref<400xi32, #tpu.memory_space<vmem>>
      %dma_start3A_121 = tpu.memref_slice %arg2[%mul3A_8] : memref<819200xi32, #tpu.memory_space<hbm>> -> memref<400xi32, #tpu.memory_space<hbm>>
      tpu.enqueue_dma source(%dma_start3A_121 : memref<400xi32, #tpu.memory_space<hbm>>) target(%dma_start3A_120 : memref<400xi32, #tpu.memory_space<vmem>>) target_semaphore(%run_scoped3A : memref<!tpu.dma_semaphore, #tpu.memory_space<semaphore_mem>>)
      %dma_wait3A_122 = arith.constant 0 : i32
      %dma_wait3A_123 = tpu.memref_slice %arg6[%dma_wait3A_122] : memref<800xi32, #tpu.memory_space<vmem>> -> memref<400xi32, #tpu.memory_space<vmem>>
      %dma_wait3A_124 = tpu.memref_slice %arg2[%mul3A_8] : memref<819200xi32, #tpu.memory_space<hbm>> -> memref<400xi32, #tpu.memory_space<hbm>>
      %dma_wait3A_125 = arith.constant 0 : i32
      %dma_wait3A_126 = tpu.memref_slice %arg6[%dma_wait3A_125] : memref<800xi32, #tpu.memory_space<vmem>> -> memref<400xi32, #tpu.memory_space<vmem>>
      %dma_wait3A_127 = tpu.memref_slice %arg2[%mul3A_8] : memref<819200xi32, #tpu.memory_space<hbm>> -> memref<400xi32, #tpu.memory_space<hbm>>
      tpu.wait_dma2 semaphore(%run_scoped3A : memref<!tpu.dma_semaphore, #tpu.memory_space<semaphore_mem>>) src(%dma_wait3A_127 : memref<400xi32, #tpu.memory_space<hbm>>) dst(%dma_wait3A_126 : memref<400xi32, #tpu.memory_space<vmem>>)
      tpu.yield
    }) : () -> ()
    %dma_start3A = arith.constant 0 : i32
    %dma_start3A_9 = arith.constant 0 : i32
    %dma_start3A_10 = tpu.memref_slice %arg7[%dma_start3A, %dma_start3A_9] : memref<800x128xf32, #tpu.memory_space<vmem>> -> memref<40x128xf32, #tpu.memory_space<vmem>>
    %dma_start3A_11 = arith.constant 0 : i32
    %dma_start3A_12 = tpu.memref_slice %arg6[%dma_start3A_11] : memref<800xi32, #tpu.memory_space<vmem>> -> memref<40xi32, #tpu.memory_space<vmem>>
    %dma_start3A_13 = arith.constant 0 : i32
    %dma_start3A_14 = arith.constant 0 : i32
    %dma_start3A_15 = tpu.memref_slice %arg3[%dma_start3A_13, %dma_start3A_14] : memref<1000000x128xf32, #tpu.memory_space<hbm>> -> memref<1000000x128xf32, #tpu.memory_space<hbm>>
    tpu.enqueue_indirect_dma source(%dma_start3A_15 : memref<1000000x128xf32, #tpu.memory_space<hbm>>) target(%dma_start3A_10 : memref<40x128xf32, #tpu.memory_space<vmem>>) offsets(%dma_start3A_12 : memref<40xi32, #tpu.memory_space<vmem>>) semaphore(%arg9 : memref<!tpu.dma_semaphore, #tpu.memory_space<semaphore_mem>>)
    %dma_start3A_16 = arith.constant 40 : i32
    %dma_start3A_17 = arith.constant 0 : i32
    %dma_start3A_18 = tpu.memref_slice %arg7[%dma_start3A_16, %dma_start3A_17] : memref<800x128xf32, #tpu.memory_space<vmem>> -> memref<40x128xf32, #tpu.memory_space<vmem>>
    %dma_start3A_19 = arith.constant 40 : i32
    %dma_start3A_20 = tpu.memref_slice %arg6[%dma_start3A_19] : memref<800xi32, #tpu.memory_space<vmem>> -> memref<40xi32, #tpu.memory_space<vmem>>
    %dma_start3A_21 = arith.constant 0 : i32
    %dma_start3A_22 = arith.constant 0 : i32
    %dma_start3A_23 = tpu.memref_slice %arg3[%dma_start3A_21, %dma_start3A_22] : memref<1000000x128xf32, #tpu.memory_space<hbm>> -> memref<1000000x128xf32, #tpu.memory_space<hbm>>
    tpu.enqueue_indirect_dma source(%dma_start3A_23 : memref<1000000x128xf32, #tpu.memory_space<hbm>>) target(%dma_start3A_18 : memref<40x128xf32, #tpu.memory_space<vmem>>) offsets(%dma_start3A_20 : memref<40xi32, #tpu.memory_space<vmem>>) semaphore(%arg9 : memref<!tpu.dma_semaphore, #tpu.memory_space<semaphore_mem>>)
    %dma_start3A_24 = arith.constant 80 : i32
    %dma_start3A_25 = arith.constant 0 : i32
    %dma_start3A_26 = tpu.memref_slice %arg7[%dma_start3A_24, %dma_start3A_25] : memref<800x128xf32, #tpu.memory_space<vmem>> -> memref<40x128xf32, #tpu.memory_space<vmem>>
    %dma_start3A_27 = arith.constant 80 : i32
    %dma_start3A_28 = tpu.memref_slice %arg6[%dma_start3A_27] : memref<800xi32, #tpu.memory_space<vmem>> -> memref<40xi32, #tpu.memory_space<vmem>>
    %dma_start3A_29 = arith.constant 0 : i32
    %dma_start3A_30 = arith.constant 0 : i32
    %dma_start3A_31 = tpu.memref_slice %arg3[%dma_start3A_29, %dma_start3A_30] : memref<1000000x128xf32, #tpu.memory_space<hbm>> -> memref<1000000x128xf32, #tpu.memory_space<hbm>>
    tpu.enqueue_indirect_dma source(%dma_start3A_31 : memref<1000000x128xf32, #tpu.memory_space<hbm>>) target(%dma_start3A_26 : memref<40x128xf32, #tpu.memory_space<vmem>>) offsets(%dma_start3A_28 : memref<40xi32, #tpu.memory_space<vmem>>) semaphore(%arg9 : memref<!tpu.dma_semaphore, #tpu.memory_space<semaphore_mem>>)
    %dma_start3A_32 = arith.constant 120 : i32
    %dma_start3A_33 = arith.constant 0 : i32
    %dma_start3A_34 = tpu.memref_slice %arg7[%dma_start3A_32, %dma_start3A_33] : memref<800x128xf32, #tpu.memory_space<vmem>> -> memref<40x128xf32, #tpu.memory_space<vmem>>
    %dma_start3A_35 = arith.constant 120 : i32
    %dma_start3A_36 = tpu.memref_slice %arg6[%dma_start3A_35] : memref<800xi32, #tpu.memory_space<vmem>> -> memref<40xi32, #tpu.memory_space<vmem>>
    %dma_start3A_37 = arith.constant 0 : i32
    %dma_start3A_38 = arith.constant 0 : i32
    %dma_start3A_39 = tpu.memref_slice %arg3[%dma_start3A_37, %dma_start3A_38] : memref<1000000x128xf32, #tpu.memory_space<hbm>> -> memref<1000000x128xf32, #tpu.memory_space<hbm>>
    tpu.enqueue_indirect_dma source(%dma_start3A_39 : memref<1000000x128xf32, #tpu.memory_space<hbm>>) target(%dma_start3A_34 : memref<40x128xf32, #tpu.memory_space<vmem>>) offsets(%dma_start3A_36 : memref<40xi32, #tpu.memory_space<vmem>>) semaphore(%arg9 : memref<!tpu.dma_semaphore, #tpu.memory_space<semaphore_mem>>)
    %dma_start3A_40 = arith.constant 160 : i32
    %dma_start3A_41 = arith.constant 0 : i32
    %dma_start3A_42 = tpu.memref_slice %arg7[%dma_start3A_40, %dma_start3A_41] : memref<800x128xf32, #tpu.memory_space<vmem>> -> memref<40x128xf32, #tpu.memory_space<vmem>>
    %dma_start3A_43 = arith.constant 160 : i32
    %dma_start3A_44 = tpu.memref_slice %arg6[%dma_start3A_43] : memref<800xi32, #tpu.memory_space<vmem>> -> memref<40xi32, #tpu.memory_space<vmem>>
    %dma_start3A_45 = arith.constant 0 : i32
    %dma_start3A_46 = arith.constant 0 : i32
    %dma_start3A_47 = tpu.memref_slice %arg3[%dma_start3A_45, %dma_start3A_46] : memref<1000000x128xf32, #tpu.memory_space<hbm>> -> memref<1000000x128xf32, #tpu.memory_space<hbm>>
    tpu.enqueue_indirect_dma source(%dma_start3A_47 : memref<1000000x128xf32, #tpu.memory_space<hbm>>) target(%dma_start3A_42 : memref<40x128xf32, #tpu.memory_space<vmem>>) offsets(%dma_start3A_44 : memref<40xi32, #tpu.memory_space<vmem>>) semaphore(%arg9 : memref<!tpu.dma_semaphore, #tpu.memory_space<semaphore_mem>>)
    %dma_start3A_48 = arith.constant 200 : i32
    %dma_start3A_49 = arith.constant 0 : i32
    %dma_start3A_50 = tpu.memref_slice %arg7[%dma_start3A_48, %dma_start3A_49] : memref<800x128xf32, #tpu.memory_space<vmem>> -> memref<40x128xf32, #tpu.memory_space<vmem>>
    %dma_start3A_51 = arith.constant 200 : i32
    %dma_start3A_52 = tpu.memref_slice %arg6[%dma_start3A_51] : memref<800xi32, #tpu.memory_space<vmem>> -> memref<40xi32, #tpu.memory_space<vmem>>
    %dma_start3A_53 = arith.constant 0 : i32
    %dma_start3A_54 = arith.constant 0 : i32
    %dma_start3A_55 = tpu.memref_slice %arg3[%dma_start3A_53, %dma_start3A_54] : memref<1000000x128xf32, #tpu.memory_space<hbm>> -> memref<1000000x128xf32, #tpu.memory_space<hbm>>
    tpu.enqueue_indirect_dma source(%dma_start3A_55 : memref<1000000x128xf32, #tpu.memory_space<hbm>>) target(%dma_start3A_50 : memref<40x128xf32, #tpu.memory_space<vmem>>) offsets(%dma_start3A_52 : memref<40xi32, #tpu.memory_space<vmem>>) semaphore(%arg9 : memref<!tpu.dma_semaphore, #tpu.memory_space<semaphore_mem>>)
    %dma_start3A_56 = arith.constant 240 : i32
    %dma_start3A_57 = arith.constant 0 : i32
    %dma_start3A_58 = tpu.memref_slice %arg7[%dma_start3A_56, %dma_start3A_57] : memref<800x128xf32, #tpu.memory_space<vmem>> -> memref<40x128xf32, #tpu.memory_space<vmem>>
    %dma_start3A_59 = arith.constant 240 : i32
    %dma_start3A_60 = tpu.memref_slice %arg6[%dma_start3A_59] : memref<800xi32, #tpu.memory_space<vmem>> -> memref<40xi32, #tpu.memory_space<vmem>>
    %dma_start3A_61 = arith.constant 0 : i32
    %dma_start3A_62 = arith.constant 0 : i32
    %dma_start3A_63 = tpu.memref_slice %arg3[%dma_start3A_61, %dma_start3A_62] : memref<1000000x128xf32, #tpu.memory_space<hbm>> -> memref<1000000x128xf32, #tpu.memory_space<hbm>>
    tpu.enqueue_indirect_dma source(%dma_start3A_63 : memref<1000000x128xf32, #tpu.memory_space<hbm>>) target(%dma_start3A_58 : memref<40x128xf32, #tpu.memory_space<vmem>>) offsets(%dma_start3A_60 : memref<40xi32, #tpu.memory_space<vmem>>) semaphore(%arg9 : memref<!tpu.dma_semaphore, #tpu.memory_space<semaphore_mem>>)
    %dma_start3A_64 = arith.constant 280 : i32
    %dma_start3A_65 = arith.constant 0 : i32
    %dma_start3A_66 = tpu.memref_slice %arg7[%dma_start3A_64, %dma_start3A_65] : memref<800x128xf32, #tpu.memory_space<vmem>> -> memref<40x128xf32, #tpu.memory_space<vmem>>
    %dma_start3A_67 = arith.constant 280 : i32
    %dma_start3A_68 = tpu.memref_slice %arg6[%dma_start3A_67] : memref<800xi32, #tpu.memory_space<vmem>> -> memref<40xi32, #tpu.memory_space<vmem>>
    %dma_start3A_69 = arith.constant 0 : i32
    %dma_start3A_70 = arith.constant 0 : i32
    %dma_start3A_71 = tpu.memref_slice %arg3[%dma_start3A_69, %dma_start3A_70] : memref<1000000x128xf32, #tpu.memory_space<hbm>> -> memref<1000000x128xf32, #tpu.memory_space<hbm>>
    tpu.enqueue_indirect_dma source(%dma_start3A_71 : memref<1000000x128xf32, #tpu.memory_space<hbm>>) target(%dma_start3A_66 : memref<40x128xf32, #tpu.memory_space<vmem>>) offsets(%dma_start3A_68 : memref<40xi32, #tpu.memory_space<vmem>>) semaphore(%arg9 : memref<!tpu.dma_semaphore, #tpu.memory_space<semaphore_mem>>)
    %dma_start3A_72 = arith.constant 320 : i32
    %dma_start3A_73 = arith.constant 0 : i32
    %dma_start3A_74 = tpu.memref_slice %arg7[%dma_start3A_72, %dma_start3A_73] : memref<800x128xf32, #tpu.memory_space<vmem>> -> memref<40x128xf32, #tpu.memory_space<vmem>>
    %dma_start3A_75 = arith.constant 320 : i32
    %dma_start3A_76 = tpu.memref_slice %arg6[%dma_start3A_75] : memref<800xi32, #tpu.memory_space<vmem>> -> memref<40xi32, #tpu.memory_space<vmem>>
    %dma_start3A_77 = arith.constant 0 : i32
    %dma_start3A_78 = arith.constant 0 : i32
    %dma_start3A_79 = tpu.memref_slice %arg3[%dma_start3A_77, %dma_start3A_78] : memref<1000000x128xf32, #tpu.memory_space<hbm>> -> memref<1000000x128xf32, #tpu.memory_space<hbm>>
    tpu.enqueue_indirect_dma source(%dma_start3A_79 : memref<1000000x128xf32, #tpu.memory_space<hbm>>) target(%dma_start3A_74 : memref<40x128xf32, #tpu.memory_space<vmem>>) offsets(%dma_start3A_76 : memref<40xi32, #tpu.memory_space<vmem>>) semaphore(%arg9 : memref<!tpu.dma_semaphore, #tpu.memory_space<semaphore_mem>>)
    %dma_start3A_80 = arith.constant 360 : i32
    %dma_start3A_81 = arith.constant 0 : i32
    %dma_start3A_82 = tpu.memref_slice %arg7[%dma_start3A_80, %dma_start3A_81] : memref<800x128xf32, #tpu.memory_space<vmem>> -> memref<40x128xf32, #tpu.memory_space<vmem>>
    %dma_start3A_83 = arith.constant 360 : i32
    %dma_start3A_84 = tpu.memref_slice %arg6[%dma_start3A_83] : memref<800xi32, #tpu.memory_space<vmem>> -> memref<40xi32, #tpu.memory_space<vmem>>
    %dma_start3A_85 = arith.constant 0 : i32
    %dma_start3A_86 = arith.constant 0 : i32
    %dma_start3A_87 = tpu.memref_slice %arg3[%dma_start3A_85, %dma_start3A_86] : memref<1000000x128xf32, #tpu.memory_space<hbm>> -> memref<1000000x128xf32, #tpu.memory_space<hbm>>
    tpu.enqueue_indirect_dma source(%dma_start3A_87 : memref<1000000x128xf32, #tpu.memory_space<hbm>>) target(%dma_start3A_82 : memref<40x128xf32, #tpu.memory_space<vmem>>) offsets(%dma_start3A_84 : memref<40xi32, #tpu.memory_space<vmem>>) semaphore(%arg9 : memref<!tpu.dma_semaphore, #tpu.memory_space<semaphore_mem>>)
    %scan3A = arith.constant 0 : i32
    %scan3A_88 = arith.constant 0 : i32
    %scan3A_89 = arith.constant 32 : i32
    %scan3A_90 = arith.addi %scan3A_88, %scan3A_89 : i32
    %scan3A_91 = arith.constant 1 : i32
    scf.for %scan3A_116 = %scan3A_88 to %scan3A_90 step %scan3A_91  : i32 {
      %mul3A_117 = arith.constant 2 : i32
      %mul3A_118 = arith.muli %mul3A_117, %scan3A_116 : i32
      %gt3A = arith.constant 0 : i32
      %gt3A_119 = arith.cmpi sgt, %scan3A_116, %gt3A : i32
      %convert_element_type3A = arith.extui %gt3A_119 : i1 to i32
      %cond3A = arith.constant 0 : i32
      %cond3A_120 = arith.cmpi ne, %convert_element_type3A, %cond3A : i32
      scf.if %cond3A_120 {
        %dma_wait3A_416 = arith.constant 0 : i32
        %dma_wait3A_417 = arith.constant 0 : i32
        %dma_wait3A_418 = tpu.memref_slice %arg7[%dma_wait3A_416, %dma_wait3A_417] : memref<800x128xf32, #tpu.memory_space<vmem>> -> memref<400x128xf32, #tpu.memory_space<vmem>>
        %dma_wait3A_419 = arith.constant 0 : i32
        %dma_wait3A_420 = arith.constant 0 : i32
        %dma_wait3A_421 = tpu.memref_slice %arg3[%dma_wait3A_419, %dma_wait3A_420] : memref<1000000x128xf32, #tpu.memory_space<hbm>> -> memref<400x128xf32, #tpu.memory_space<hbm>>
        %dma_wait3A_422 = arith.constant 0 : i32
        %dma_wait3A_423 = arith.constant 0 : i32
        %dma_wait3A_424 = tpu.memref_slice %arg7[%dma_wait3A_422, %dma_wait3A_423] : memref<800x128xf32, #tpu.memory_space<vmem>> -> memref<400x128xf32, #tpu.memory_space<vmem>>
        %dma_wait3A_425 = arith.constant 0 : i32
        %dma_wait3A_426 = arith.constant 0 : i32
        %dma_wait3A_427 = tpu.memref_slice %arg3[%dma_wait3A_425, %dma_wait3A_426] : memref<1000000x128xf32, #tpu.memory_space<hbm>> -> memref<400x128xf32, #tpu.memory_space<hbm>>
        tpu.wait_dma2 semaphore(%arg12 : memref<!tpu.dma_semaphore, #tpu.memory_space<semaphore_mem>>) src(%dma_wait3A_427 : memref<400x128xf32, #tpu.memory_space<hbm>>) dst(%dma_wait3A_424 : memref<400x128xf32, #tpu.memory_space<vmem>>)
      } else {
      }
      %add3A_121 = arith.constant 1 : i32
      %add3A_122 = arith.addi %mul3A_118, %add3A_121 : i32
      %add3A_123 = arith.addi %mul3A_2, %add3A_122 : i32
      %mul3A_124 = arith.constant 2 : i32
      %mul3A_125 = arith.muli %add3A_123, %mul3A_124 : i32
      %mul3A_126 = arith.constant 200 : i32
      %mul3A_127 = arith.muli %mul3A_125, %mul3A_126 : i32
      "tpu.region"() ({
        %run_scoped3A = tpu.sem_alloc : memref<!tpu.dma_semaphore, #tpu.memory_space<semaphore_mem>>
        %dma_start3A_416 = arith.constant 400 : i32
        %dma_start3A_417 = tpu.memref_slice %arg6[%dma_start3A_416] : memref<800xi32, #tpu.memory_space<vmem>> -> memref<400xi32, #tpu.memory_space<vmem>>
        %dma_start3A_418 = tpu.memref_slice %arg2[%mul3A_127] : memref<819200xi32, #tpu.memory_space<hbm>> -> memref<400xi32, #tpu.memory_space<hbm>>
        %dma_start3A_419 = arith.constant 400 : i32
        %dma_start3A_420 = tpu.memref_slice %arg6[%dma_start3A_419] : memref<800xi32, #tpu.memory_space<vmem>> -> memref<400xi32, #tpu.memory_space<vmem>>
        %dma_start3A_421 = tpu.memref_slice %arg2[%mul3A_127] : memref<819200xi32, #tpu.memory_space<hbm>> -> memref<400xi32, #tpu.memory_space<hbm>>
        tpu.enqueue_dma source(%dma_start3A_421 : memref<400xi32, #tpu.memory_space<hbm>>) target(%dma_start3A_420 : memref<400xi32, #tpu.memory_space<vmem>>) target_semaphore(%run_scoped3A : memref<!tpu.dma_semaphore, #tpu.memory_space<semaphore_mem>>)
        %dma_wait3A_422 = arith.constant 400 : i32
        %dma_wait3A_423 = tpu.memref_slice %arg6[%dma_wait3A_422] : memref<800xi32, #tpu.memory_space<vmem>> -> memref<400xi32, #tpu.memory_space<vmem>>
        %dma_wait3A_424 = tpu.memref_slice %arg2[%mul3A_127] : memref<819200xi32, #tpu.memory_space<hbm>> -> memref<400xi32, #tpu.memory_space<hbm>>
        %dma_wait3A_425 = arith.constant 400 : i32
        %dma_wait3A_426 = tpu.memref_slice %arg6[%dma_wait3A_425] : memref<800xi32, #tpu.memory_space<vmem>> -> memref<400xi32, #tpu.memory_space<vmem>>
        %dma_wait3A_427 = tpu.memref_slice %arg2[%mul3A_127] : memref<819200xi32, #tpu.memory_space<hbm>> -> memref<400xi32, #tpu.memory_space<hbm>>
        tpu.wait_dma2 semaphore(%run_scoped3A : memref<!tpu.dma_semaphore, #tpu.memory_space<semaphore_mem>>) src(%dma_wait3A_427 : memref<400xi32, #tpu.memory_space<hbm>>) dst(%dma_wait3A_426 : memref<400xi32, #tpu.memory_space<vmem>>)
        tpu.yield
      }) : () -> ()
      %dma_start3A_128 = arith.constant 400 : i32
      %dma_start3A_129 = arith.constant 0 : i32
      %dma_start3A_130 = tpu.memref_slice %arg7[%dma_start3A_128, %dma_start3A_129] : memref<800x128xf32, #tpu.memory_space<vmem>> -> memref<40x128xf32, #tpu.memory_space<vmem>>
      %dma_start3A_131 = arith.constant 400 : i32
      %dma_start3A_132 = tpu.memref_slice %arg6[%dma_start3A_131] : memref<800xi32, #tpu.memory_space<vmem>> -> memref<40xi32, #tpu.memory_space<vmem>>
      %dma_start3A_133 = arith.constant 0 : i32
      %dma_start3A_134 = arith.constant 0 : i32
      %dma_start3A_135 = tpu.memref_slice %arg3[%dma_start3A_133, %dma_start3A_134] : memref<1000000x128xf32, #tpu.memory_space<hbm>> -> memref<1000000x128xf32, #tpu.memory_space<hbm>>
      tpu.enqueue_indirect_dma source(%dma_start3A_135 : memref<1000000x128xf32, #tpu.memory_space<hbm>>) target(%dma_start3A_130 : memref<40x128xf32, #tpu.memory_space<vmem>>) offsets(%dma_start3A_132 : memref<40xi32, #tpu.memory_space<vmem>>) semaphore(%arg10 : memref<!tpu.dma_semaphore, #tpu.memory_space<semaphore_mem>>)
      %dma_start3A_136 = arith.constant 440 : i32
      %dma_start3A_137 = arith.constant 0 : i32
      %dma_start3A_138 = tpu.memref_slice %arg7[%dma_start3A_136, %dma_start3A_137] : memref<800x128xf32, #tpu.memory_space<vmem>> -> memref<40x128xf32, #tpu.memory_space<vmem>>
      %dma_start3A_139 = arith.constant 440 : i32
      %dma_start3A_140 = tpu.memref_slice %arg6[%dma_start3A_139] : memref<800xi32, #tpu.memory_space<vmem>> -> memref<40xi32, #tpu.memory_space<vmem>>
      %dma_start3A_141 = arith.constant 0 : i32
      %dma_start3A_142 = arith.constant 0 : i32
      %dma_start3A_143 = tpu.memref_slice %arg3[%dma_start3A_141, %dma_start3A_142] : memref<1000000x128xf32, #tpu.memory_space<hbm>> -> memref<1000000x128xf32, #tpu.memory_space<hbm>>
      tpu.enqueue_indirect_dma source(%dma_start3A_143 : memref<1000000x128xf32, #tpu.memory_space<hbm>>) target(%dma_start3A_138 : memref<40x128xf32, #tpu.memory_space<vmem>>) offsets(%dma_start3A_140 : memref<40xi32, #tpu.memory_space<vmem>>) semaphore(%arg10 : memref<!tpu.dma_semaphore, #tpu.memory_space<semaphore_mem>>)
      %dma_start3A_144 = arith.constant 480 : i32
      %dma_start3A_145 = arith.constant 0 : i32
      %dma_start3A_146 = tpu.memref_slice %arg7[%dma_start3A_144, %dma_start3A_145] : memref<800x128xf32, #tpu.memory_space<vmem>> -> memref<40x128xf32, #tpu.memory_space<vmem>>
      %dma_start3A_147 = arith.constant 480 : i32
      %dma_start3A_148 = tpu.memref_slice %arg6[%dma_start3A_147] : memref<800xi32, #tpu.memory_space<vmem>> -> memref<40xi32, #tpu.memory_space<vmem>>
      %dma_start3A_149 = arith.constant 0 : i32
      %dma_start3A_150 = arith.constant 0 : i32
      %dma_start3A_151 = tpu.memref_slice %arg3[%dma_start3A_149, %dma_start3A_150] : memref<1000000x128xf32, #tpu.memory_space<hbm>> -> memref<1000000x128xf32, #tpu.memory_space<hbm>>
      tpu.enqueue_indirect_dma source(%dma_start3A_151 : memref<1000000x128xf32, #tpu.memory_space<hbm>>) target(%dma_start3A_146 : memref<40x128xf32, #tpu.memory_space<vmem>>) offsets(%dma_start3A_148 : memref<40xi32, #tpu.memory_space<vmem>>) semaphore(%arg10 : memref<!tpu.dma_semaphore, #tpu.memory_space<semaphore_mem>>)
      %dma_start3A_152 = arith.constant 520 : i32
      %dma_start3A_153 = arith.constant 0 : i32
      %dma_start3A_154 = tpu.memref_slice %arg7[%dma_start3A_152, %dma_start3A_153] : memref<800x128xf32, #tpu.memory_space<vmem>> -> memref<40x128xf32, #tpu.memory_space<vmem>>
      %dma_start3A_155 = arith.constant 520 : i32
      %dma_start3A_156 = tpu.memref_slice %arg6[%dma_start3A_155] : memref<800xi32, #tpu.memory_space<vmem>> -> memref<40xi32, #tpu.memory_space<vmem>>
      %dma_start3A_157 = arith.constant 0 : i32
      %dma_start3A_158 = arith.constant 0 : i32
      %dma_start3A_159 = tpu.memref_slice %arg3[%dma_start3A_157, %dma_start3A_158] : memref<1000000x128xf32, #tpu.memory_space<hbm>> -> memref<1000000x128xf32, #tpu.memory_space<hbm>>
      tpu.enqueue_indirect_dma source(%dma_start3A_159 : memref<1000000x128xf32, #tpu.memory_space<hbm>>) target(%dma_start3A_154 : memref<40x128xf32, #tpu.memory_space<vmem>>) offsets(%dma_start3A_156 : memref<40xi32, #tpu.memory_space<vmem>>) semaphore(%arg10 : memref<!tpu.dma_semaphore, #tpu.memory_space<semaphore_mem>>)
      %dma_start3A_160 = arith.constant 560 : i32
      %dma_start3A_161 = arith.constant 0 : i32
      %dma_start3A_162 = tpu.memref_slice %arg7[%dma_start3A_160, %dma_start3A_161] : memref<800x128xf32, #tpu.memory_space<vmem>> -> memref<40x128xf32, #tpu.memory_space<vmem>>
      %dma_start3A_163 = arith.constant 560 : i32
      %dma_start3A_164 = tpu.memref_slice %arg6[%dma_start3A_163] : memref<800xi32, #tpu.memory_space<vmem>> -> memref<40xi32, #tpu.memory_space<vmem>>
      %dma_start3A_165 = arith.constant 0 : i32
      %dma_start3A_166 = arith.constant 0 : i32
      %dma_start3A_167 = tpu.memref_slice %arg3[%dma_start3A_165, %dma_start3A_166] : memref<1000000x128xf32, #tpu.memory_space<hbm>> -> memref<1000000x128xf32, #tpu.memory_space<hbm>>
      tpu.enqueue_indirect_dma source(%dma_start3A_167 : memref<1000000x128xf32, #tpu.memory_space<hbm>>) target(%dma_start3A_162 : memref<40x128xf32, #tpu.memory_space<vmem>>) offsets(%dma_start3A_164 : memref<40xi32, #tpu.memory_space<vmem>>) semaphore(%arg10 : memref<!tpu.dma_semaphore, #tpu.memory_space<semaphore_mem>>)
      %dma_start3A_168 = arith.constant 600 : i32
      %dma_start3A_169 = arith.constant 0 : i32
      %dma_start3A_170 = tpu.memref_slice %arg7[%dma_start3A_168, %dma_start3A_169] : memref<800x128xf32, #tpu.memory_space<vmem>> -> memref<40x128xf32, #tpu.memory_space<vmem>>
      %dma_start3A_171 = arith.constant 600 : i32
      %dma_start3A_172 = tpu.memref_slice %arg6[%dma_start3A_171] : memref<800xi32, #tpu.memory_space<vmem>> -> memref<40xi32, #tpu.memory_space<vmem>>
      %dma_start3A_173 = arith.constant 0 : i32
      %dma_start3A_174 = arith.constant 0 : i32
      %dma_start3A_175 = tpu.memref_slice %arg3[%dma_start3A_173, %dma_start3A_174] : memref<1000000x128xf32, #tpu.memory_space<hbm>> -> memref<1000000x128xf32, #tpu.memory_space<hbm>>
      tpu.enqueue_indirect_dma source(%dma_start3A_175 : memref<1000000x128xf32, #tpu.memory_space<hbm>>) target(%dma_start3A_170 : memref<40x128xf32, #tpu.memory_space<vmem>>) offsets(%dma_start3A_172 : memref<40xi32, #tpu.memory_space<vmem>>) semaphore(%arg10 : memref<!tpu.dma_semaphore, #tpu.memory_space<semaphore_mem>>)
      %dma_start3A_176 = arith.constant 640 : i32
      %dma_start3A_177 = arith.constant 0 : i32
      %dma_start3A_178 = tpu.memref_slice %arg7[%dma_start3A_176, %dma_start3A_177] : memref<800x128xf32, #tpu.memory_space<vmem>> -> memref<40x128xf32, #tpu.memory_space<vmem>>
      %dma_start3A_179 = arith.constant 640 : i32
      %dma_start3A_180 = tpu.memref_slice %arg6[%dma_start3A_179] : memref<800xi32, #tpu.memory_space<vmem>> -> memref<40xi32, #tpu.memory_space<vmem>>
      %dma_start3A_181 = arith.constant 0 : i32
      %dma_start3A_182 = arith.constant 0 : i32
      %dma_start3A_183 = tpu.memref_slice %arg3[%dma_start3A_181, %dma_start3A_182] : memref<1000000x128xf32, #tpu.memory_space<hbm>> -> memref<1000000x128xf32, #tpu.memory_space<hbm>>
      tpu.enqueue_indirect_dma source(%dma_start3A_183 : memref<1000000x128xf32, #tpu.memory_space<hbm>>) target(%dma_start3A_178 : memref<40x128xf32, #tpu.memory_space<vmem>>) offsets(%dma_start3A_180 : memref<40xi32, #tpu.memory_space<vmem>>) semaphore(%arg10 : memref<!tpu.dma_semaphore, #tpu.memory_space<semaphore_mem>>)
      %dma_start3A_184 = arith.constant 680 : i32
      %dma_start3A_185 = arith.constant 0 : i32
      %dma_start3A_186 = tpu.memref_slice %arg7[%dma_start3A_184, %dma_start3A_185] : memref<800x128xf32, #tpu.memory_space<vmem>> -> memref<40x128xf32, #tpu.memory_space<vmem>>
      %dma_start3A_187 = arith.constant 680 : i32
      %dma_start3A_188 = tpu.memref_slice %arg6[%dma_start3A_187] : memref<800xi32, #tpu.memory_space<vmem>> -> memref<40xi32, #tpu.memory_space<vmem>>
      %dma_start3A_189 = arith.constant 0 : i32
      %dma_start3A_190 = arith.constant 0 : i32
      %dma_start3A_191 = tpu.memref_slice %arg3[%dma_start3A_189, %dma_start3A_190] : memref<1000000x128xf32, #tpu.memory_space<hbm>> -> memref<1000000x128xf32, #tpu.memory_space<hbm>>
      tpu.enqueue_indirect_dma source(%dma_start3A_191 : memref<1000000x128xf32, #tpu.memory_space<hbm>>) target(%dma_start3A_186 : memref<40x128xf32, #tpu.memory_space<vmem>>) offsets(%dma_start3A_188 : memref<40xi32, #tpu.memory_space<vmem>>) semaphore(%arg10 : memref<!tpu.dma_semaphore, #tpu.memory_space<semaphore_mem>>)
      %dma_start3A_192 = arith.constant 720 : i32
      %dma_start3A_193 = arith.constant 0 : i32
      %dma_start3A_194 = tpu.memref_slice %arg7[%dma_start3A_192, %dma_start3A_193] : memref<800x128xf32, #tpu.memory_space<vmem>> -> memref<40x128xf32, #tpu.memory_space<vmem>>
      %dma_start3A_195 = arith.constant 720 : i32
      %dma_start3A_196 = tpu.memref_slice %arg6[%dma_start3A_195] : memref<800xi32, #tpu.memory_space<vmem>> -> memref<40xi32, #tpu.memory_space<vmem>>
      %dma_start3A_197 = arith.constant 0 : i32
      %dma_start3A_198 = arith.constant 0 : i32
      %dma_start3A_199 = tpu.memref_slice %arg3[%dma_start3A_197, %dma_start3A_198] : memref<1000000x128xf32, #tpu.memory_space<hbm>> -> memref<1000000x128xf32, #tpu.memory_space<hbm>>
      tpu.enqueue_indirect_dma source(%dma_start3A_199 : memref<1000000x128xf32, #tpu.memory_space<hbm>>) target(%dma_start3A_194 : memref<40x128xf32, #tpu.memory_space<vmem>>) offsets(%dma_start3A_196 : memref<40xi32, #tpu.memory_space<vmem>>) semaphore(%arg10 : memref<!tpu.dma_semaphore, #tpu.memory_space<semaphore_mem>>)
      %dma_start3A_200 = arith.constant 760 : i32
      %dma_start3A_201 = arith.constant 0 : i32
      %dma_start3A_202 = tpu.memref_slice %arg7[%dma_start3A_200, %dma_start3A_201] : memref<800x128xf32, #tpu.memory_space<vmem>> -> memref<40x128xf32, #tpu.memory_space<vmem>>
      %dma_start3A_203 = arith.constant 760 : i32
      %dma_start3A_204 = tpu.memref_slice %arg6[%dma_start3A_203] : memref<800xi32, #tpu.memory_space<vmem>> -> memref<40xi32, #tpu.memory_space<vmem>>
      %dma_start3A_205 = arith.constant 0 : i32
      %dma_start3A_206 = arith.constant 0 : i32
      %dma_start3A_207 = tpu.memref_slice %arg3[%dma_start3A_205, %dma_start3A_206] : memref<1000000x128xf32, #tpu.memory_space<hbm>> -> memref<1000000x128xf32, #tpu.memory_space<hbm>>
      tpu.enqueue_indirect_dma source(%dma_start3A_207 : memref<1000000x128xf32, #tpu.memory_space<hbm>>) target(%dma_start3A_202 : memref<40x128xf32, #tpu.memory_space<vmem>>) offsets(%dma_start3A_204 : memref<40xi32, #tpu.memory_space<vmem>>) semaphore(%arg10 : memref<!tpu.dma_semaphore, #tpu.memory_space<semaphore_mem>>)
      %dma_wait3A_208 = arith.constant 0 : i32
      %dma_wait3A_209 = arith.constant 0 : i32
      %dma_wait3A_210 = tpu.memref_slice %arg7[%dma_wait3A_208, %dma_wait3A_209] : memref<800x128xf32, #tpu.memory_space<vmem>> -> memref<400x128xf32, #tpu.memory_space<vmem>>
      %dma_wait3A_211 = arith.constant 0 : i32
      %dma_wait3A_212 = arith.constant 0 : i32
      %dma_wait3A_213 = tpu.memref_slice %arg3[%dma_wait3A_211, %dma_wait3A_212] : memref<1000000x128xf32, #tpu.memory_space<hbm>> -> memref<400x128xf32, #tpu.memory_space<hbm>>
      %dma_wait3A_214 = arith.constant 0 : i32
      %dma_wait3A_215 = arith.constant 0 : i32
      %dma_wait3A_216 = tpu.memref_slice %arg7[%dma_wait3A_214, %dma_wait3A_215] : memref<800x128xf32, #tpu.memory_space<vmem>> -> memref<400x128xf32, #tpu.memory_space<vmem>>
      %dma_wait3A_217 = arith.constant 0 : i32
      %dma_wait3A_218 = arith.constant 0 : i32
      %dma_wait3A_219 = tpu.memref_slice %arg3[%dma_wait3A_217, %dma_wait3A_218] : memref<1000000x128xf32, #tpu.memory_space<hbm>> -> memref<400x128xf32, #tpu.memory_space<hbm>>
      tpu.wait_dma2 semaphore(%arg9 : memref<!tpu.dma_semaphore, #tpu.memory_space<semaphore_mem>>) src(%dma_wait3A_219 : memref<400x128xf32, #tpu.memory_space<hbm>>) dst(%dma_wait3A_216 : memref<400x128xf32, #tpu.memory_space<vmem>>)
      %scan3A_220 = arith.constant 0 : i32
      %scan3A_221 = arith.constant 0 : i32
      %scan3A_222 = arith.constant 200 : i32
      %scan3A_223 = arith.addi %scan3A_221, %scan3A_222 : i32
      %scan3A_224 = arith.constant 1 : i32
      scf.for %scan3A_416 = %scan3A_221 to %scan3A_223 step %scan3A_224  : i32 {
        %mul3A_417 = arith.constant 64 : i32
        %mul3A_418 = arith.muli %scan3A_416, %mul3A_417 : i32
        %add3A_419 = arith.constant 0 : i32
        %add3A_420 = arith.addi %mul3A_418, %add3A_419 : i32
        %get3A = arith.index_cast %add3A_420 : i32 to index
        %get3A_421 = tpu.vector_load %arg8[%get3A] {strides = array<i32>} : memref<12800xf32, #tpu.memory_space<vmem>>, vector<16xf32>,
        %get3A_422 = vector.shape_cast %get3A_421 : vector<16xf32> to vector<16xf32>
        %mul3A_423 = arith.constant 64 : i32
        %mul3A_424 = arith.muli %scan3A_416, %mul3A_423 : i32
        %add3A_425 = arith.constant 16 : i32
        %add3A_426 = arith.addi %mul3A_424, %add3A_425 : i32
        %get3A_427 = arith.index_cast %add3A_426 : i32 to index
        %get3A_428 = tpu.vector_load %arg8[%get3A_427] {strides = array<i32>} : memref<12800xf32, #tpu.memory_space<vmem>>, vector<16xf32>,
        %get3A_429 = vector.shape_cast %get3A_428 : vector<16xf32> to vector<16xf32>
        %mul3A_430 = arith.constant 64 : i32
        %mul3A_431 = arith.muli %scan3A_416, %mul3A_430 : i32
        %add3A_432 = arith.constant 32 : i32
        %add3A_433 = arith.addi %mul3A_431, %add3A_432 : i32
        %get3A_434 = arith.index_cast %add3A_433 : i32 to index
        %get3A_435 = tpu.vector_load %arg8[%get3A_434] {strides = array<i32>} : memref<12800xf32, #tpu.memory_space<vmem>>, vector<16xf32>,
        %get3A_436 = vector.shape_cast %get3A_435 : vector<16xf32> to vector<16xf32>
        %mul3A_437 = arith.constant 64 : i32
        %mul3A_438 = arith.muli %scan3A_416, %mul3A_437 : i32
        %add3A_439 = arith.constant 48 : i32
        %add3A_440 = arith.addi %mul3A_438, %add3A_439 : i32
        %get3A_441 = arith.index_cast %add3A_440 : i32 to index
        %get3A_442 = tpu.vector_load %arg8[%get3A_441] {strides = array<i32>} : memref<12800xf32, #tpu.memory_space<vmem>>, vector<16xf32>,
        %get3A_443 = vector.shape_cast %get3A_442 : vector<16xf32> to vector<16xf32>
        %add3A_444 = arith.constant 0 : i32
        %add3A_445 = arith.addi %add3A_444, %scan3A_416 : i32
        %get3A_446 = arith.index_cast %add3A_445 : i32 to index
        %get3A_447 = arith.constant 0 : index
        %get3A_448 = tpu.vector_load %arg7[%get3A_446, %get3A_447] {strides = array<i32>} : memref<800x128xf32, #tpu.memory_space<vmem>>, vector<1x16xf32>,
        %get3A_449 = vector.shape_cast %get3A_448 : vector<1x16xf32> to vector<16xf32>
        %add3A_450 = arith.addf %get3A_449, %get3A_422 : vector<16xf32>
        %mul3A_451 = arith.constant 8.000000e+00 : f32
        %mul3A_452 = vector.broadcast %mul3A_451 : f32 to vector<16xf32>
        %mul3A_453 = arith.mulf %add3A_450, %mul3A_452 : vector<16xf32>
        %swap3A = arith.index_cast %add3A_445 : i32 to index
        %swap3A_454 = arith.constant 0 : index
        %swap3A_455 = tpu.vector_load %arg7[%swap3A, %swap3A_454] {strides = array<i32>} : memref<800x128xf32, #tpu.memory_space<vmem>>, vector<1x16xf32>,
        %swap3A_456 = vector.shape_cast %swap3A_455 : vector<1x16xf32> to vector<16xf32>
        %swap3A_457 = vector.shape_cast %mul3A_453 : vector<16xf32> to vector<1x16xf32>
        tpu.vector_store %arg7[%swap3A, %swap3A_454], %swap3A_457 {strides = array<i32>} : memref<800x128xf32, #tpu.memory_space<vmem>>, vector<1x16xf32>,
        %get3A_458 = arith.index_cast %add3A_445 : i32 to index
        %get3A_459 = arith.constant 16 : index
        %get3A_460 = tpu.vector_load %arg7[%get3A_458, %get3A_459] {strides = array<i32>} : memref<800x128xf32, #tpu.memory_space<vmem>>, vector<1x16xf32>,
        %get3A_461 = vector.shape_cast %get3A_460 : vector<1x16xf32> to vector<16xf32>
        %add3A_462 = arith.addf %get3A_461, %get3A_429 : vector<16xf32>
        %mul3A_463 = arith.constant 8.000000e+00 : f32
        %mul3A_464 = vector.broadcast %mul3A_463 : f32 to vector<16xf32>
        %mul3A_465 = arith.mulf %add3A_462, %mul3A_464 : vector<16xf32>
        %swap3A_466 = arith.index_cast %add3A_445 : i32 to index
        %swap3A_467 = arith.constant 16 : index
        %swap3A_468 = tpu.vector_load %arg7[%swap3A_466, %swap3A_467] {strides = array<i32>} : memref<800x128xf32, #tpu.memory_space<vmem>>, vector<1x16xf32>,
        %swap3A_469 = vector.shape_cast %swap3A_468 : vector<1x16xf32> to vector<16xf32>
        %swap3A_470 = vector.shape_cast %mul3A_465 : vector<16xf32> to vector<1x16xf32>
        tpu.vector_store %arg7[%swap3A_466, %swap3A_467], %swap3A_470 {strides = array<i32>} : memref<800x128xf32, #tpu.memory_space<vmem>>, vector<1x16xf32>,
        %get3A_471 = arith.index_cast %add3A_445 : i32 to index
        %get3A_472 = arith.constant 32 : index
        %get3A_473 = tpu.vector_load %arg7[%get3A_471, %get3A_472] {strides = array<i32>} : memref<800x128xf32, #tpu.memory_space<vmem>>, vector<1x16xf32>,
        %get3A_474 = vector.shape_cast %get3A_473 : vector<1x16xf32> to vector<16xf32>
        %add3A_475 = arith.addf %get3A_474, %get3A_436 : vector<16xf32>
        %mul3A_476 = arith.constant 8.000000e+00 : f32
        %mul3A_477 = vector.broadcast %mul3A_476 : f32 to vector<16xf32>
        %mul3A_478 = arith.mulf %add3A_475, %mul3A_477 : vector<16xf32>
        %swap3A_479 = arith.index_cast %add3A_445 : i32 to index
        %swap3A_480 = arith.constant 32 : index
        %swap3A_481 = tpu.vector_load %arg7[%swap3A_479, %swap3A_480] {strides = array<i32>} : memref<800x128xf32, #tpu.memory_space<vmem>>, vector<1x16xf32>,
        %swap3A_482 = vector.shape_cast %swap3A_481 : vector<1x16xf32> to vector<16xf32>
        %swap3A_483 = vector.shape_cast %mul3A_478 : vector<16xf32> to vector<1x16xf32>
        tpu.vector_store %arg7[%swap3A_479, %swap3A_480], %swap3A_483 {strides = array<i32>} : memref<800x128xf32, #tpu.memory_space<vmem>>, vector<1x16xf32>,
        %get3A_484 = arith.index_cast %add3A_445 : i32 to index
        %get3A_485 = arith.constant 48 : index
        %get3A_486 = tpu.vector_load %arg7[%get3A_484, %get3A_485] {strides = array<i32>} : memref<800x128xf32, #tpu.memory_space<vmem>>, vector<1x16xf32>,
        %get3A_487 = vector.shape_cast %get3A_486 : vector<1x16xf32> to vector<16xf32>
        %add3A_488 = arith.addf %get3A_487, %get3A_443 : vector<16xf32>
        %mul3A_489 = arith.constant 8.000000e+00 : f32
        %mul3A_490 = vector.broadcast %mul3A_489 : f32 to vector<16xf32>
        %mul3A_491 = arith.mulf %add3A_488, %mul3A_490 : vector<16xf32>
        %swap3A_492 = arith.index_cast %add3A_445 : i32 to index
        %swap3A_493 = arith.constant 48 : index
        %swap3A_494 = tpu.vector_load %arg7[%swap3A_492, %swap3A_493] {strides = array<i32>} : memref<800x128xf32, #tpu.memory_space<vmem>>, vector<1x16xf32>,
        %swap3A_495 = vector.shape_cast %swap3A_494 : vector<1x16xf32> to vector<16xf32>
        %swap3A_496 = vector.shape_cast %mul3A_491 : vector<16xf32> to vector<1x16xf32>
        tpu.vector_store %arg7[%swap3A_492, %swap3A_493], %swap3A_496 {strides = array<i32>} : memref<800x128xf32, #tpu.memory_space<vmem>>, vector<1x16xf32>,
        %add3A_497 = arith.constant 200 : i32
        %add3A_498 = arith.addi %add3A_497, %scan3A_416 : i32
        %get3A_499 = arith.index_cast %add3A_498 : i32 to index
        %get3A_500 = arith.constant 0 : index
        %get3A_501 = tpu.vector_load %arg7[%get3A_499, %get3A_500] {strides = array<i32>} : memref<800x128xf32, #tpu.memory_space<vmem>>, vector<1x16xf32>,
        %get3A_502 = vector.shape_cast %get3A_501 : vector<1x16xf32> to vector<16xf32>
        %add3A_503 = arith.addf %get3A_502, %get3A_422 : vector<16xf32>
        %mul3A_504 = arith.constant 8.000000e+00 : f32
        %mul3A_505 = vector.broadcast %mul3A_504 : f32 to vector<16xf32>
        %mul3A_506 = arith.mulf %add3A_503, %mul3A_505 : vector<16xf32>
        %swap3A_507 = arith.index_cast %add3A_498 : i32 to index
        %swap3A_508 = arith.constant 0 : index
        %swap3A_509 = tpu.vector_load %arg7[%swap3A_507, %swap3A_508] {strides = array<i32>} : memref<800x128xf32, #tpu.memory_space<vmem>>, vector<1x16xf32>,
        %swap3A_510 = vector.shape_cast %swap3A_509 : vector<1x16xf32> to vector<16xf32>
        %swap3A_511 = vector.shape_cast %mul3A_506 : vector<16xf32> to vector<1x16xf32>
        tpu.vector_store %arg7[%swap3A_507, %swap3A_508], %swap3A_511 {strides = array<i32>} : memref<800x128xf32, #tpu.memory_space<vmem>>, vector<1x16xf32>,
        %get3A_512 = arith.index_cast %add3A_498 : i32 to index
        %get3A_513 = arith.constant 16 : index
        %get3A_514 = tpu.vector_load %arg7[%get3A_512, %get3A_513] {strides = array<i32>} : memref<800x128xf32, #tpu.memory_space<vmem>>, vector<1x16xf32>,
        %get3A_515 = vector.shape_cast %get3A_514 : vector<1x16xf32> to vector<16xf32>
        %add3A_516 = arith.addf %get3A_515, %get3A_429 : vector<16xf32>
        %mul3A_517 = arith.constant 8.000000e+00 : f32
        %mul3A_518 = vector.broadcast %mul3A_517 : f32 to vector<16xf32>
        %mul3A_519 = arith.mulf %add3A_516, %mul3A_518 : vector<16xf32>
        %swap3A_520 = arith.index_cast %add3A_498 : i32 to index
        %swap3A_521 = arith.constant 16 : index
        %swap3A_522 = tpu.vector_load %arg7[%swap3A_520, %swap3A_521] {strides = array<i32>} : memref<800x128xf32, #tpu.memory_space<vmem>>, vector<1x16xf32>,
        %swap3A_523 = vector.shape_cast %swap3A_522 : vector<1x16xf32> to vector<16xf32>
        %swap3A_524 = vector.shape_cast %mul3A_519 : vector<16xf32> to vector<1x16xf32>
        tpu.vector_store %arg7[%swap3A_520, %swap3A_521], %swap3A_524 {strides = array<i32>} : memref<800x128xf32, #tpu.memory_space<vmem>>, vector<1x16xf32>,
        %get3A_525 = arith.index_cast %add3A_498 : i32 to index
        %get3A_526 = arith.constant 32 : index
        %get3A_527 = tpu.vector_load %arg7[%get3A_525, %get3A_526] {strides = array<i32>} : memref<800x128xf32, #tpu.memory_space<vmem>>, vector<1x16xf32>,
        %get3A_528 = vector.shape_cast %get3A_527 : vector<1x16xf32> to vector<16xf32>
        %add3A_529 = arith.addf %get3A_528, %get3A_436 : vector<16xf32>
        %mul3A_530 = arith.constant 8.000000e+00 : f32
        %mul3A_531 = vector.broadcast %mul3A_530 : f32 to vector<16xf32>
        %mul3A_532 = arith.mulf %add3A_529, %mul3A_531 : vector<16xf32>
        %swap3A_533 = arith.index_cast %add3A_498 : i32 to index
        %swap3A_534 = arith.constant 32 : index
        %swap3A_535 = tpu.vector_load %arg7[%swap3A_533, %swap3A_534] {strides = array<i32>} : memref<800x128xf32, #tpu.memory_space<vmem>>, vector<1x16xf32>,
        %swap3A_536 = vector.shape_cast %swap3A_535 : vector<1x16xf32> to vector<16xf32>
        %swap3A_537 = vector.shape_cast %mul3A_532 : vector<16xf32> to vector<1x16xf32>
        tpu.vector_store %arg7[%swap3A_533, %swap3A_534], %swap3A_537 {strides = array<i32>} : memref<800x128xf32, #tpu.memory_space<vmem>>, vector<1x16xf32>,
        %get3A_538 = arith.index_cast %add3A_498 : i32 to index
        %get3A_539 = arith.constant 48 : index
        %get3A_540 = tpu.vector_load %arg7[%get3A_538, %get3A_539] {strides = array<i32>} : memref<800x128xf32, #tpu.memory_space<vmem>>, vector<1x16xf32>,
        %get3A_541 = vector.shape_cast %get3A_540 : vector<1x16xf32> to vector<16xf32>
        %add3A_542 = arith.addf %get3A_541, %get3A_443 : vector<16xf32>
        %mul3A_543 = arith.constant 8.000000e+00 : f32
        %mul3A_544 = vector.broadcast %mul3A_543 : f32 to vector<16xf32>
        %mul3A_545 = arith.mulf %add3A_542, %mul3A_544 : vector<16xf32>
        %swap3A_546 = arith.index_cast %add3A_498 : i32 to index
        %swap3A_547 = arith.constant 48 : index
        %swap3A_548 = tpu.vector_load %arg7[%swap3A_546, %swap3A_547] {strides = array<i32>} : memref<800x128xf32, #tpu.memory_space<vmem>>, vector<1x16xf32>,
        %swap3A_549 = vector.shape_cast %swap3A_548 : vector<1x16xf32> to vector<16xf32>
        %swap3A_550 = vector.shape_cast %mul3A_545 : vector<16xf32> to vector<1x16xf32>
        tpu.vector_store %arg7[%swap3A_546, %swap3A_547], %swap3A_550 {strides = array<i32>} : memref<800x128xf32, #tpu.memory_space<vmem>>, vector<1x16xf32>,
      }
      %scan3A_225 = arith.constant 200 : i32
      %add3A_226 = arith.addi %mul3A_2, %mul3A_118 : i32
      %mul3A_227 = arith.constant 2 : i32
      %mul3A_228 = arith.muli %add3A_226, %mul3A_227 : i32
      %add3A_229 = arith.constant 0 : i32
      %add3A_230 = arith.addi %mul3A_228, %add3A_229 : i32
      %dma_start3A_231 = arith.constant 0 : i32
      %dma_start3A_232 = arith.constant 0 : i32
      %dma_start3A_233 = tpu.memref_slice %arg7[%dma_start3A_231, %dma_start3A_232] : memref<800x128xf32, #tpu.memory_space<vmem>> -> memref<200x128xf32, #tpu.memory_space<vmem>>
      %dma_start3A_234 = arith.constant 0 : i32
      %dma_start3A_235 = arith.constant 0 : i32
      %dma_start3A_236 = tpu.memref_slice %arg5[%add3A_230, %dma_start3A_234, %dma_start3A_235] : memref<4096x200x128xf32, #tpu.memory_space<hbm>> -> memref<1x200x128xf32, #tpu.memory_space<hbm>>
      %dma_start3A_237 = tpu.memref_squeeze %dma_start3A_236 : memref<1x200x128xf32, #tpu.memory_space<hbm>> -> memref<200x128xf32, #tpu.memory_space<hbm>>
      %dma_start3A_238 = arith.constant 0 : i32
      %dma_start3A_239 = arith.constant 0 : i32
      %dma_start3A_240 = tpu.memref_slice %arg5[%add3A_230, %dma_start3A_238, %dma_start3A_239] : memref<4096x200x128xf32, #tpu.memory_space<hbm>> -> memref<1x200x128xf32, #tpu.memory_space<hbm>>
      %dma_start3A_241 = tpu.memref_squeeze %dma_start3A_240 : memref<1x200x128xf32, #tpu.memory_space<hbm>> -> memref<200x128xf32, #tpu.memory_space<hbm>>
      %dma_start3A_242 = arith.constant 0 : i32
      %dma_start3A_243 = arith.constant 0 : i32
      %dma_start3A_244 = tpu.memref_slice %arg7[%dma_start3A_242, %dma_start3A_243] : memref<800x128xf32, #tpu.memory_space<vmem>> -> memref<200x128xf32, #tpu.memory_space<vmem>>
      tpu.enqueue_dma source(%dma_start3A_244 : memref<200x128xf32, #tpu.memory_space<vmem>>) target(%dma_start3A_241 : memref<200x128xf32, #tpu.memory_space<hbm>>) target_semaphore(%arg11 : memref<!tpu.dma_semaphore, #tpu.memory_space<semaphore_mem>>)
      %add3A_245 = arith.constant 1 : i32
      %add3A_246 = arith.addi %mul3A_228, %add3A_245 : i32
      %dma_start3A_247 = arith.constant 200 : i32
      %dma_start3A_248 = arith.constant 0 : i32
      %dma_start3A_249 = tpu.memref_slice %arg7[%dma_start3A_247, %dma_start3A_248] : memref<800x128xf32, #tpu.memory_space<vmem>> -> memref<200x128xf32, #tpu.memory_space<vmem>>
      %dma_start3A_250 = arith.constant 0 : i32
      %dma_start3A_251 = arith.constant 0 : i32
      %dma_start3A_252 = tpu.memref_slice %arg5[%add3A_246, %dma_start3A_250, %dma_start3A_251] : memref<4096x200x128xf32, #tpu.memory_space<hbm>> -> memref<1x200x128xf32, #tpu.memory_space<hbm>>
      %dma_start3A_253 = tpu.memref_squeeze %dma_start3A_252 : memref<1x200x128xf32, #tpu.memory_space<hbm>> -> memref<200x128xf32, #tpu.memory_space<hbm>>
      %dma_start3A_254 = arith.constant 0 : i32
      %dma_start3A_255 = arith.constant 0 : i32
      %dma_start3A_256 = tpu.memref_slice %arg5[%add3A_246, %dma_start3A_254, %dma_start3A_255] : memref<4096x200x128xf32, #tpu.memory_space<hbm>> -> memref<1x200x128xf32, #tpu.memory_space<hbm>>
      %dma_start3A_257 = tpu.memref_squeeze %dma_start3A_256 : memref<1x200x128xf32, #tpu.memory_space<hbm>> -> memref<200x128xf32, #tpu.memory_space<hbm>>
      %dma_start3A_258 = arith.constant 200 : i32
      %dma_start3A_259 = arith.constant 0 : i32
      %dma_start3A_260 = tpu.memref_slice %arg7[%dma_start3A_258, %dma_start3A_259] : memref<800x128xf32, #tpu.memory_space<vmem>> -> memref<200x128xf32, #tpu.memory_space<vmem>>
      tpu.enqueue_dma source(%dma_start3A_260 : memref<200x128xf32, #tpu.memory_space<vmem>>) target(%dma_start3A_257 : memref<200x128xf32, #tpu.memory_space<hbm>>) target_semaphore(%arg11 : memref<!tpu.dma_semaphore, #tpu.memory_space<semaphore_mem>>)
      %dma_wait3A_261 = arith.constant 0 : i32
      %dma_wait3A_262 = arith.constant 0 : i32
      %dma_wait3A_263 = tpu.memref_slice %arg7[%dma_wait3A_261, %dma_wait3A_262] : memref<800x128xf32, #tpu.memory_space<vmem>> -> memref<400x128xf32, #tpu.memory_space<vmem>>
      %dma_wait3A_264 = arith.constant 0 : i32
      %dma_wait3A_265 = arith.constant 0 : i32
      %dma_wait3A_266 = tpu.memref_slice %arg3[%dma_wait3A_264, %dma_wait3A_265] : memref<1000000x128xf32, #tpu.memory_space<hbm>> -> memref<400x128xf32, #tpu.memory_space<hbm>>
      %dma_wait3A_267 = arith.constant 0 : i32
      %dma_wait3A_268 = arith.constant 0 : i32
      %dma_wait3A_269 = tpu.memref_slice %arg7[%dma_wait3A_267, %dma_wait3A_268] : memref<800x128xf32, #tpu.memory_space<vmem>> -> memref<400x128xf32, #tpu.memory_space<vmem>>
      %dma_wait3A_270 = arith.constant 0 : i32
      %dma_wait3A_271 = arith.constant 0 : i32
      %dma_wait3A_272 = tpu.memref_slice %arg3[%dma_wait3A_270, %dma_wait3A_271] : memref<1000000x128xf32, #tpu.memory_space<hbm>> -> memref<400x128xf32, #tpu.memory_space<hbm>>
      tpu.wait_dma2 semaphore(%arg11 : memref<!tpu.dma_semaphore, #tpu.memory_space<semaphore_mem>>) src(%dma_wait3A_272 : memref<400x128xf32, #tpu.memory_space<hbm>>) dst(%dma_wait3A_269 : memref<400x128xf32, #tpu.memory_space<vmem>>)
      %add3A_273 = arith.constant 2 : i32
      %add3A_274 = arith.addi %mul3A_118, %add3A_273 : i32
      %min3A = arith.constant 63 : i32
      %min3A_275 = arith.minsi %add3A_274, %min3A : i32
      %add3A_276 = arith.addi %mul3A_2, %min3A_275 : i32
      %mul3A_277 = arith.constant 2 : i32
      %mul3A_278 = arith.muli %add3A_276, %mul3A_277 : i32
      %mul3A_279 = arith.constant 200 : i32
      %mul3A_280 = arith.muli %mul3A_278, %mul3A_279 : i32
      "tpu.region"() ({
        %run_scoped3A = tpu.sem_alloc : memref<!tpu.dma_semaphore, #tpu.memory_space<semaphore_mem>>
        %dma_start3A_416 = arith.constant 0 : i32
        %dma_start3A_417 = tpu.memref_slice %arg6[%dma_start3A_416] : memref<800xi32, #tpu.memory_space<vmem>> -> memref<400xi32, #tpu.memory_space<vmem>>
        %dma_start3A_418 = tpu.memref_slice %arg2[%mul3A_280] : memref<819200xi32, #tpu.memory_space<hbm>> -> memref<400xi32, #tpu.memory_space<hbm>>
        %dma_start3A_419 = arith.constant 0 : i32
        %dma_start3A_420 = tpu.memref_slice %arg6[%dma_start3A_419] : memref<800xi32, #tpu.memory_space<vmem>> -> memref<400xi32, #tpu.memory_space<vmem>>
        %dma_start3A_421 = tpu.memref_slice %arg2[%mul3A_280] : memref<819200xi32, #tpu.memory_space<hbm>> -> memref<400xi32, #tpu.memory_space<hbm>>
        tpu.enqueue_dma source(%dma_start3A_421 : memref<400xi32, #tpu.memory_space<hbm>>) target(%dma_start3A_420 : memref<400xi32, #tpu.memory_space<vmem>>) target_semaphore(%run_scoped3A : memref<!tpu.dma_semaphore, #tpu.memory_space<semaphore_mem>>)
        %dma_wait3A_422 = arith.constant 0 : i32
        %dma_wait3A_423 = tpu.memref_slice %arg6[%dma_wait3A_422] : memref<800xi32, #tpu.memory_space<vmem>> -> memref<400xi32, #tpu.memory_space<vmem>>
        %dma_wait3A_424 = tpu.memref_slice %arg2[%mul3A_280] : memref<819200xi32, #tpu.memory_space<hbm>> -> memref<400xi32, #tpu.memory_space<hbm>>
        %dma_wait3A_425 = arith.constant 0 : i32
        %dma_wait3A_426 = tpu.memref_slice %arg6[%dma_wait3A_425] : memref<800xi32, #tpu.memory_space<vmem>> -> memref<400xi32, #tpu.memory_space<vmem>>
        %dma_wait3A_427 = tpu.memref_slice %arg2[%mul3A_280] : memref<819200xi32, #tpu.memory_space<hbm>> -> memref<400xi32, #tpu.memory_space<hbm>>
        tpu.wait_dma2 semaphore(%run_scoped3A : memref<!tpu.dma_semaphore, #tpu.memory_space<semaphore_mem>>) src(%dma_wait3A_427 : memref<400xi32, #tpu.memory_space<hbm>>) dst(%dma_wait3A_426 : memref<400xi32, #tpu.memory_space<vmem>>)
        tpu.yield
      }) : () -> ()
      %dma_start3A_281 = arith.constant 0 : i32
      %dma_start3A_282 = arith.constant 0 : i32
      %dma_start3A_283 = tpu.memref_slice %arg7[%dma_start3A_281, %dma_start3A_282] : memref<800x128xf32, #tpu.memory_space<vmem>> -> memref<40x128xf32, #tpu.memory_space<vmem>>
      %dma_start3A_284 = arith.constant 0 : i32
      %dma_start3A_285 = tpu.memref_slice %arg6[%dma_start3A_284] : memref<800xi32, #tpu.memory_space<vmem>> -> memref<40xi32, #tpu.memory_space<vmem>>
      %dma_start3A_286 = arith.constant 0 : i32
      %dma_start3A_287 = arith.constant 0 : i32
      %dma_start3A_288 = tpu.memref_slice %arg3[%dma_start3A_286, %dma_start3A_287] : memref<1000000x128xf32, #tpu.memory_space<hbm>> -> memref<1000000x128xf32, #tpu.memory_space<hbm>>
      tpu.enqueue_indirect_dma source(%dma_start3A_288 : memref<1000000x128xf32, #tpu.memory_space<hbm>>) target(%dma_start3A_283 : memref<40x128xf32, #tpu.memory_space<vmem>>) offsets(%dma_start3A_285 : memref<40xi32, #tpu.memory_space<vmem>>) semaphore(%arg9 : memref<!tpu.dma_semaphore, #tpu.memory_space<semaphore_mem>>)
      %dma_start3A_289 = arith.constant 40 : i32
      %dma_start3A_290 = arith.constant 0 : i32
      %dma_start3A_291 = tpu.memref_slice %arg7[%dma_start3A_289, %dma_start3A_290] : memref<800x128xf32, #tpu.memory_space<vmem>> -> memref<40x128xf32, #tpu.memory_space<vmem>>
      %dma_start3A_292 = arith.constant 40 : i32
      %dma_start3A_293 = tpu.memref_slice %arg6[%dma_start3A_292] : memref<800xi32, #tpu.memory_space<vmem>> -> memref<40xi32, #tpu.memory_space<vmem>>
      %dma_start3A_294 = arith.constant 0 : i32
      %dma_start3A_295 = arith.constant 0 : i32
      %dma_start3A_296 = tpu.memref_slice %arg3[%dma_start3A_294, %dma_start3A_295] : memref<1000000x128xf32, #tpu.memory_space<hbm>> -> memref<1000000x128xf32, #tpu.memory_space<hbm>>
      tpu.enqueue_indirect_dma source(%dma_start3A_296 : memref<1000000x128xf32, #tpu.memory_space<hbm>>) target(%dma_start3A_291 : memref<40x128xf32, #tpu.memory_space<vmem>>) offsets(%dma_start3A_293 : memref<40xi32, #tpu.memory_space<vmem>>) semaphore(%arg9 : memref<!tpu.dma_semaphore, #tpu.memory_space<semaphore_mem>>)
      %dma_start3A_297 = arith.constant 80 : i32
      %dma_start3A_298 = arith.constant 0 : i32
      %dma_start3A_299 = tpu.memref_slice %arg7[%dma_start3A_297, %dma_start3A_298] : memref<800x128xf32, #tpu.memory_space<vmem>> -> memref<40x128xf32, #tpu.memory_space<vmem>>
      %dma_start3A_300 = arith.constant 80 : i32
      %dma_start3A_301 = tpu.memref_slice %arg6[%dma_start3A_300] : memref<800xi32, #tpu.memory_space<vmem>> -> memref<40xi32, #tpu.memory_space<vmem>>
      %dma_start3A_302 = arith.constant 0 : i32
      %dma_start3A_303 = arith.constant 0 : i32
      %dma_start3A_304 = tpu.memref_slice %arg3[%dma_start3A_302, %dma_start3A_303] : memref<1000000x128xf32, #tpu.memory_space<hbm>> -> memref<1000000x128xf32, #tpu.memory_space<hbm>>
      tpu.enqueue_indirect_dma source(%dma_start3A_304 : memref<1000000x128xf32, #tpu.memory_space<hbm>>) target(%dma_start3A_299 : memref<40x128xf32, #tpu.memory_space<vmem>>) offsets(%dma_start3A_301 : memref<40xi32, #tpu.memory_space<vmem>>) semaphore(%arg9 : memref<!tpu.dma_semaphore, #tpu.memory_space<semaphore_mem>>)
      %dma_start3A_305 = arith.constant 120 : i32
      %dma_start3A_306 = arith.constant 0 : i32
      %dma_start3A_307 = tpu.memref_slice %arg7[%dma_start3A_305, %dma_start3A_306] : memref<800x128xf32, #tpu.memory_space<vmem>> -> memref<40x128xf32, #tpu.memory_space<vmem>>
      %dma_start3A_308 = arith.constant 120 : i32
      %dma_start3A_309 = tpu.memref_slice %arg6[%dma_start3A_308] : memref<800xi32, #tpu.memory_space<vmem>> -> memref<40xi32, #tpu.memory_space<vmem>>
      %dma_start3A_310 = arith.constant 0 : i32
      %dma_start3A_311 = arith.constant 0 : i32
      %dma_start3A_312 = tpu.memref_slice %arg3[%dma_start3A_310, %dma_start3A_311] : memref<1000000x128xf32, #tpu.memory_space<hbm>> -> memref<1000000x128xf32, #tpu.memory_space<hbm>>
      tpu.enqueue_indirect_dma source(%dma_start3A_312 : memref<1000000x128xf32, #tpu.memory_space<hbm>>) target(%dma_start3A_307 : memref<40x128xf32, #tpu.memory_space<vmem>>) offsets(%dma_start3A_309 : memref<40xi32, #tpu.memory_space<vmem>>) semaphore(%arg9 : memref<!tpu.dma_semaphore, #tpu.memory_space<semaphore_mem>>)
      %dma_start3A_313 = arith.constant 160 : i32
      %dma_start3A_314 = arith.constant 0 : i32
      %dma_start3A_315 = tpu.memref_slice %arg7[%dma_start3A_313, %dma_start3A_314] : memref<800x128xf32, #tpu.memory_space<vmem>> -> memref<40x128xf32, #tpu.memory_space<vmem>>
      %dma_start3A_316 = arith.constant 160 : i32
      %dma_start3A_317 = tpu.memref_slice %arg6[%dma_start3A_316] : memref<800xi32, #tpu.memory_space<vmem>> -> memref<40xi32, #tpu.memory_space<vmem>>
      %dma_start3A_318 = arith.constant 0 : i32
      %dma_start3A_319 = arith.constant 0 : i32
      %dma_start3A_320 = tpu.memref_slice %arg3[%dma_start3A_318, %dma_start3A_319] : memref<1000000x128xf32, #tpu.memory_space<hbm>> -> memref<1000000x128xf32, #tpu.memory_space<hbm>>
      tpu.enqueue_indirect_dma source(%dma_start3A_320 : memref<1000000x128xf32, #tpu.memory_space<hbm>>) target(%dma_start3A_315 : memref<40x128xf32, #tpu.memory_space<vmem>>) offsets(%dma_start3A_317 : memref<40xi32, #tpu.memory_space<vmem>>) semaphore(%arg9 : memref<!tpu.dma_semaphore, #tpu.memory_space<semaphore_mem>>)
      %dma_start3A_321 = arith.constant 200 : i32
      %dma_start3A_322 = arith.constant 0 : i32
      %dma_start3A_323 = tpu.memref_slice %arg7[%dma_start3A_321, %dma_start3A_322] : memref<800x128xf32, #tpu.memory_space<vmem>> -> memref<40x128xf32, #tpu.memory_space<vmem>>
      %dma_start3A_324 = arith.constant 200 : i32
      %dma_start3A_325 = tpu.memref_slice %arg6[%dma_start3A_324] : memref<800xi32, #tpu.memory_space<vmem>> -> memref<40xi32, #tpu.memory_space<vmem>>
      %dma_start3A_326 = arith.constant 0 : i32
      %dma_start3A_327 = arith.constant 0 : i32
      %dma_start3A_328 = tpu.memref_slice %arg3[%dma_start3A_326, %dma_start3A_327] : memref<1000000x128xf32, #tpu.memory_space<hbm>> -> memref<1000000x128xf32, #tpu.memory_space<hbm>>
      tpu.enqueue_indirect_dma source(%dma_start3A_328 : memref<1000000x128xf32, #tpu.memory_space<hbm>>) target(%dma_start3A_323 : memref<40x128xf32, #tpu.memory_space<vmem>>) offsets(%dma_start3A_325 : memref<40xi32, #tpu.memory_space<vmem>>) semaphore(%arg9 : memref<!tpu.dma_semaphore, #tpu.memory_space<semaphore_mem>>)
      %dma_start3A_329 = arith.constant 240 : i32
      %dma_start3A_330 = arith.constant 0 : i32
      %dma_start3A_331 = tpu.memref_slice %arg7[%dma_start3A_329, %dma_start3A_330] : memref<800x128xf32, #tpu.memory_space<vmem>> -> memref<40x128xf32, #tpu.memory_space<vmem>>
      %dma_start3A_332 = arith.constant 240 : i32
      %dma_start3A_333 = tpu.memref_slice %arg6[%dma_start3A_332] : memref<800xi32, #tpu.memory_space<vmem>> -> memref<40xi32, #tpu.memory_space<vmem>>
      %dma_start3A_334 = arith.constant 0 : i32
      %dma_start3A_335 = arith.constant 0 : i32
      %dma_start3A_336 = tpu.memref_slice %arg3[%dma_start3A_334, %dma_start3A_335] : memref<1000000x128xf32, #tpu.memory_space<hbm>> -> memref<1000000x128xf32, #tpu.memory_space<hbm>>
      tpu.enqueue_indirect_dma source(%dma_start3A_336 : memref<1000000x128xf32, #tpu.memory_space<hbm>>) target(%dma_start3A_331 : memref<40x128xf32, #tpu.memory_space<vmem>>) offsets(%dma_start3A_333 : memref<40xi32, #tpu.memory_space<vmem>>) semaphore(%arg9 : memref<!tpu.dma_semaphore, #tpu.memory_space<semaphore_mem>>)
      %dma_start3A_337 = arith.constant 280 : i32
      %dma_start3A_338 = arith.constant 0 : i32
      %dma_start3A_339 = tpu.memref_slice %arg7[%dma_start3A_337, %dma_start3A_338] : memref<800x128xf32, #tpu.memory_space<vmem>> -> memref<40x128xf32, #tpu.memory_space<vmem>>
      %dma_start3A_340 = arith.constant 280 : i32
      %dma_start3A_341 = tpu.memref_slice %arg6[%dma_start3A_340] : memref<800xi32, #tpu.memory_space<vmem>> -> memref<40xi32, #tpu.memory_space<vmem>>
      %dma_start3A_342 = arith.constant 0 : i32
      %dma_start3A_343 = arith.constant 0 : i32
      %dma_start3A_344 = tpu.memref_slice %arg3[%dma_start3A_342, %dma_start3A_343] : memref<1000000x128xf32, #tpu.memory_space<hbm>> -> memref<1000000x128xf32, #tpu.memory_space<hbm>>
      tpu.enqueue_indirect_dma source(%dma_start3A_344 : memref<1000000x128xf32, #tpu.memory_space<hbm>>) target(%dma_start3A_339 : memref<40x128xf32, #tpu.memory_space<vmem>>) offsets(%dma_start3A_341 : memref<40xi32, #tpu.memory_space<vmem>>) semaphore(%arg9 : memref<!tpu.dma_semaphore, #tpu.memory_space<semaphore_mem>>)
      %dma_start3A_345 = arith.constant 320 : i32
      %dma_start3A_346 = arith.constant 0 : i32
      %dma_start3A_347 = tpu.memref_slice %arg7[%dma_start3A_345, %dma_start3A_346] : memref<800x128xf32, #tpu.memory_space<vmem>> -> memref<40x128xf32, #tpu.memory_space<vmem>>
      %dma_start3A_348 = arith.constant 320 : i32
      %dma_start3A_349 = tpu.memref_slice %arg6[%dma_start3A_348] : memref<800xi32, #tpu.memory_space<vmem>> -> memref<40xi32, #tpu.memory_space<vmem>>
      %dma_start3A_350 = arith.constant 0 : i32
      %dma_start3A_351 = arith.constant 0 : i32
      %dma_start3A_352 = tpu.memref_slice %arg3[%dma_start3A_350, %dma_start3A_351] : memref<1000000x128xf32, #tpu.memory_space<hbm>> -> memref<1000000x128xf32, #tpu.memory_space<hbm>>
      tpu.enqueue_indirect_dma source(%dma_start3A_352 : memref<1000000x128xf32, #tpu.memory_space<hbm>>) target(%dma_start3A_347 : memref<40x128xf32, #tpu.memory_space<vmem>>) offsets(%dma_start3A_349 : memref<40xi32, #tpu.memory_space<vmem>>) semaphore(%arg9 : memref<!tpu.dma_semaphore, #tpu.memory_space<semaphore_mem>>)
      %dma_start3A_353 = arith.constant 360 : i32
      %dma_start3A_354 = arith.constant 0 : i32
      %dma_start3A_355 = tpu.memref_slice %arg7[%dma_start3A_353, %dma_start3A_354] : memref<800x128xf32, #tpu.memory_space<vmem>> -> memref<40x128xf32, #tpu.memory_space<vmem>>
      %dma_start3A_356 = arith.constant 360 : i32
      %dma_start3A_357 = tpu.memref_slice %arg6[%dma_start3A_356] : memref<800xi32, #tpu.memory_space<vmem>> -> memref<40xi32, #tpu.memory_space<vmem>>
      %dma_start3A_358 = arith.constant 0 : i32
      %dma_start3A_359 = arith.constant 0 : i32
      %dma_start3A_360 = tpu.memref_slice %arg3[%dma_start3A_358, %dma_start3A_359] : memref<1000000x128xf32, #tpu.memory_space<hbm>> -> memref<1000000x128xf32, #tpu.memory_space<hbm>>
      tpu.enqueue_indirect_dma source(%dma_start3A_360 : memref<1000000x128xf32, #tpu.memory_space<hbm>>) target(%dma_start3A_355 : memref<40x128xf32, #tpu.memory_space<vmem>>) offsets(%dma_start3A_357 : memref<40xi32, #tpu.memory_space<vmem>>) semaphore(%arg9 : memref<!tpu.dma_semaphore, #tpu.memory_space<semaphore_mem>>)
      %dma_wait3A_361 = arith.constant 0 : i32
      %dma_wait3A_362 = arith.constant 0 : i32
      %dma_wait3A_363 = tpu.memref_slice %arg7[%dma_wait3A_361, %dma_wait3A_362] : memref<800x128xf32, #tpu.memory_space<vmem>> -> memref<400x128xf32, #tpu.memory_space<vmem>>
      %dma_wait3A_364 = arith.constant 0 : i32
      %dma_wait3A_365 = arith.constant 0 : i32
      %dma_wait3A_366 = tpu.memref_slice %arg3[%dma_wait3A_364, %dma_wait3A_365] : memref<1000000x128xf32, #tpu.memory_space<hbm>> -> memref<400x128xf32, #tpu.memory_space<hbm>>
      %dma_wait3A_367 = arith.constant 0 : i32
      %dma_wait3A_368 = arith.constant 0 : i32
      %dma_wait3A_369 = tpu.memref_slice %arg7[%dma_wait3A_367, %dma_wait3A_368] : memref<800x128xf32, #tpu.memory_space<vmem>> -> memref<400x128xf32, #tpu.memory_space<vmem>>
      %dma_wait3A_370 = arith.constant 0 : i32
      %dma_wait3A_371 = arith.constant 0 : i32
      %dma_wait3A_372 = tpu.memref_slice %arg3[%dma_wait3A_370, %dma_wait3A_371] : memref<1000000x128xf32, #tpu.memory_space<hbm>> -> memref<400x128xf32, #tpu.memory_space<hbm>>
      tpu.wait_dma2 semaphore(%arg10 : memref<!tpu.dma_semaphore, #tpu.memory_space<semaphore_mem>>) src(%dma_wait3A_372 : memref<400x128xf32, #tpu.memory_space<hbm>>) dst(%dma_wait3A_369 : memref<400x128xf32, #tpu.memory_space<vmem>>)
      %add3A_373 = arith.constant 1 : i32
      %add3A_374 = arith.addi %mul3A_118, %add3A_373 : i32
      %scan3A_375 = arith.constant 0 : i32
      %scan3A_376 = arith.constant 0 : i32
      %scan3A_377 = arith.constant 200 : i32
      %scan3A_378 = arith.addi %scan3A_376, %scan3A_377 : i32
      %scan3A_379 = arith.constant 1 : i32
      scf.for %scan3A_416 = %scan3A_376 to %scan3A_378 step %scan3A_379  : i32 {
        %mul3A_417 = arith.constant 64 : i32
        %mul3A_418 = arith.muli %scan3A_416, %mul3A_417 : i32
        %add3A_419 = arith.constant 0 : i32
        %add3A_420 = arith.addi %mul3A_418, %add3A_419 : i32
        %get3A = arith.index_cast %add3A_420 : i32 to index
        %get3A_421 = tpu.vector_load %arg8[%get3A] {strides = array<i32>} : memref<12800xf32, #tpu.memory_space<vmem>>, vector<16xf32>,
        %get3A_422 = vector.shape_cast %get3A_421 : vector<16xf32> to vector<16xf32>
        %mul3A_423 = arith.constant 64 : i32
        %mul3A_424 = arith.muli %scan3A_416, %mul3A_423 : i32
        %add3A_425 = arith.constant 16 : i32
        %add3A_426 = arith.addi %mul3A_424, %add3A_425 : i32
        %get3A_427 = arith.index_cast %add3A_426 : i32 to index
        %get3A_428 = tpu.vector_load %arg8[%get3A_427] {strides = array<i32>} : memref<12800xf32, #tpu.memory_space<vmem>>, vector<16xf32>,
        %get3A_429 = vector.shape_cast %get3A_428 : vector<16xf32> to vector<16xf32>
        %mul3A_430 = arith.constant 64 : i32
        %mul3A_431 = arith.muli %scan3A_416, %mul3A_430 : i32
        %add3A_432 = arith.constant 32 : i32
        %add3A_433 = arith.addi %mul3A_431, %add3A_432 : i32
        %get3A_434 = arith.index_cast %add3A_433 : i32 to index
        %get3A_435 = tpu.vector_load %arg8[%get3A_434] {strides = array<i32>} : memref<12800xf32, #tpu.memory_space<vmem>>, vector<16xf32>,
        %get3A_436 = vector.shape_cast %get3A_435 : vector<16xf32> to vector<16xf32>
        %mul3A_437 = arith.constant 64 : i32
        %mul3A_438 = arith.muli %scan3A_416, %mul3A_437 : i32
        %add3A_439 = arith.constant 48 : i32
        %add3A_440 = arith.addi %mul3A_438, %add3A_439 : i32
        %get3A_441 = arith.index_cast %add3A_440 : i32 to index
        %get3A_442 = tpu.vector_load %arg8[%get3A_441] {strides = array<i32>} : memref<12800xf32, #tpu.memory_space<vmem>>, vector<16xf32>,
        %get3A_443 = vector.shape_cast %get3A_442 : vector<16xf32> to vector<16xf32>
        %add3A_444 = arith.constant 400 : i32
        %add3A_445 = arith.addi %add3A_444, %scan3A_416 : i32
        %get3A_446 = arith.index_cast %add3A_445 : i32 to index
        %get3A_447 = arith.constant 0 : index
        %get3A_448 = tpu.vector_load %arg7[%get3A_446, %get3A_447] {strides = array<i32>} : memref<800x128xf32, #tpu.memory_space<vmem>>, vector<1x16xf32>,
        %get3A_449 = vector.shape_cast %get3A_448 : vector<1x16xf32> to vector<16xf32>
        %add3A_450 = arith.addf %get3A_449, %get3A_422 : vector<16xf32>
        %mul3A_451 = arith.constant 8.000000e+00 : f32
        %mul3A_452 = vector.broadcast %mul3A_451 : f32 to vector<16xf32>
        %mul3A_453 = arith.mulf %add3A_450, %mul3A_452 : vector<16xf32>
        %swap3A = arith.index_cast %add3A_445 : i32 to index
        %swap3A_454 = arith.constant 0 : index
        %swap3A_455 = tpu.vector_load %arg7[%swap3A, %swap3A_454] {strides = array<i32>} : memref<800x128xf32, #tpu.memory_space<vmem>>, vector<1x16xf32>,
        %swap3A_456 = vector.shape_cast %swap3A_455 : vector<1x16xf32> to vector<16xf32>
        %swap3A_457 = vector.shape_cast %mul3A_453 : vector<16xf32> to vector<1x16xf32>
        tpu.vector_store %arg7[%swap3A, %swap3A_454], %swap3A_457 {strides = array<i32>} : memref<800x128xf32, #tpu.memory_space<vmem>>, vector<1x16xf32>,
        %get3A_458 = arith.index_cast %add3A_445 : i32 to index
        %get3A_459 = arith.constant 16 : index
        %get3A_460 = tpu.vector_load %arg7[%get3A_458, %get3A_459] {strides = array<i32>} : memref<800x128xf32, #tpu.memory_space<vmem>>, vector<1x16xf32>,
        %get3A_461 = vector.shape_cast %get3A_460 : vector<1x16xf32> to vector<16xf32>
        %add3A_462 = arith.addf %get3A_461, %get3A_429 : vector<16xf32>
        %mul3A_463 = arith.constant 8.000000e+00 : f32
        %mul3A_464 = vector.broadcast %mul3A_463 : f32 to vector<16xf32>
        %mul3A_465 = arith.mulf %add3A_462, %mul3A_464 : vector<16xf32>
        %swap3A_466 = arith.index_cast %add3A_445 : i32 to index
        %swap3A_467 = arith.constant 16 : index
        %swap3A_468 = tpu.vector_load %arg7[%swap3A_466, %swap3A_467] {strides = array<i32>} : memref<800x128xf32, #tpu.memory_space<vmem>>, vector<1x16xf32>,
        %swap3A_469 = vector.shape_cast %swap3A_468 : vector<1x16xf32> to vector<16xf32>
        %swap3A_470 = vector.shape_cast %mul3A_465 : vector<16xf32> to vector<1x16xf32>
        tpu.vector_store %arg7[%swap3A_466, %swap3A_467], %swap3A_470 {strides = array<i32>} : memref<800x128xf32, #tpu.memory_space<vmem>>, vector<1x16xf32>,
        %get3A_471 = arith.index_cast %add3A_445 : i32 to index
        %get3A_472 = arith.constant 32 : index
        %get3A_473 = tpu.vector_load %arg7[%get3A_471, %get3A_472] {strides = array<i32>} : memref<800x128xf32, #tpu.memory_space<vmem>>, vector<1x16xf32>,
        %get3A_474 = vector.shape_cast %get3A_473 : vector<1x16xf32> to vector<16xf32>
        %add3A_475 = arith.addf %get3A_474, %get3A_436 : vector<16xf32>
        %mul3A_476 = arith.constant 8.000000e+00 : f32
        %mul3A_477 = vector.broadcast %mul3A_476 : f32 to vector<16xf32>
        %mul3A_478 = arith.mulf %add3A_475, %mul3A_477 : vector<16xf32>
        %swap3A_479 = arith.index_cast %add3A_445 : i32 to index
        %swap3A_480 = arith.constant 32 : index
        %swap3A_481 = tpu.vector_load %arg7[%swap3A_479, %swap3A_480] {strides = array<i32>} : memref<800x128xf32, #tpu.memory_space<vmem>>, vector<1x16xf32>,
        %swap3A_482 = vector.shape_cast %swap3A_481 : vector<1x16xf32> to vector<16xf32>
        %swap3A_483 = vector.shape_cast %mul3A_478 : vector<16xf32> to vector<1x16xf32>
        tpu.vector_store %arg7[%swap3A_479, %swap3A_480], %swap3A_483 {strides = array<i32>} : memref<800x128xf32, #tpu.memory_space<vmem>>, vector<1x16xf32>,
        %get3A_484 = arith.index_cast %add3A_445 : i32 to index
        %get3A_485 = arith.constant 48 : index
        %get3A_486 = tpu.vector_load %arg7[%get3A_484, %get3A_485] {strides = array<i32>} : memref<800x128xf32, #tpu.memory_space<vmem>>, vector<1x16xf32>,
        %get3A_487 = vector.shape_cast %get3A_486 : vector<1x16xf32> to vector<16xf32>
        %add3A_488 = arith.addf %get3A_487, %get3A_443 : vector<16xf32>
        %mul3A_489 = arith.constant 8.000000e+00 : f32
        %mul3A_490 = vector.broadcast %mul3A_489 : f32 to vector<16xf32>
        %mul3A_491 = arith.mulf %add3A_488, %mul3A_490 : vector<16xf32>
        %swap3A_492 = arith.index_cast %add3A_445 : i32 to index
        %swap3A_493 = arith.constant 48 : index
        %swap3A_494 = tpu.vector_load %arg7[%swap3A_492, %swap3A_493] {strides = array<i32>} : memref<800x128xf32, #tpu.memory_space<vmem>>, vector<1x16xf32>,
        %swap3A_495 = vector.shape_cast %swap3A_494 : vector<1x16xf32> to vector<16xf32>
        %swap3A_496 = vector.shape_cast %mul3A_491 : vector<16xf32> to vector<1x16xf32>
        tpu.vector_store %arg7[%swap3A_492, %swap3A_493], %swap3A_496 {strides = array<i32>} : memref<800x128xf32, #tpu.memory_space<vmem>>, vector<1x16xf32>,
        %add3A_497 = arith.constant 600 : i32
        %add3A_498 = arith.addi %add3A_497, %scan3A_416 : i32
        %get3A_499 = arith.index_cast %add3A_498 : i32 to index
        %get3A_500 = arith.constant 0 : index
        %get3A_501 = tpu.vector_load %arg7[%get3A_499, %get3A_500] {strides = array<i32>} : memref<800x128xf32, #tpu.memory_space<vmem>>, vector<1x16xf32>,
        %get3A_502 = vector.shape_cast %get3A_501 : vector<1x16xf32> to vector<16xf32>
        %add3A_503 = arith.addf %get3A_502, %get3A_422 : vector<16xf32>
        %mul3A_504 = arith.constant 8.000000e+00 : f32
        %mul3A_505 = vector.broadcast %mul3A_504 : f32 to vector<16xf32>
        %mul3A_506 = arith.mulf %add3A_503, %mul3A_505 : vector<16xf32>
        %swap3A_507 = arith.index_cast %add3A_498 : i32 to index
        %swap3A_508 = arith.constant 0 : index
        %swap3A_509 = tpu.vector_load %arg7[%swap3A_507, %swap3A_508] {strides = array<i32>} : memref<800x128xf32, #tpu.memory_space<vmem>>, vector<1x16xf32>,
        %swap3A_510 = vector.shape_cast %swap3A_509 : vector<1x16xf32> to vector<16xf32>
        %swap3A_511 = vector.shape_cast %mul3A_506 : vector<16xf32> to vector<1x16xf32>
        tpu.vector_store %arg7[%swap3A_507, %swap3A_508], %swap3A_511 {strides = array<i32>} : memref<800x128xf32, #tpu.memory_space<vmem>>, vector<1x16xf32>,
        %get3A_512 = arith.index_cast %add3A_498 : i32 to index
        %get3A_513 = arith.constant 16 : index
        %get3A_514 = tpu.vector_load %arg7[%get3A_512, %get3A_513] {strides = array<i32>} : memref<800x128xf32, #tpu.memory_space<vmem>>, vector<1x16xf32>,
        %get3A_515 = vector.shape_cast %get3A_514 : vector<1x16xf32> to vector<16xf32>
        %add3A_516 = arith.addf %get3A_515, %get3A_429 : vector<16xf32>
        %mul3A_517 = arith.constant 8.000000e+00 : f32
        %mul3A_518 = vector.broadcast %mul3A_517 : f32 to vector<16xf32>
        %mul3A_519 = arith.mulf %add3A_516, %mul3A_518 : vector<16xf32>
        %swap3A_520 = arith.index_cast %add3A_498 : i32 to index
        %swap3A_521 = arith.constant 16 : index
        %swap3A_522 = tpu.vector_load %arg7[%swap3A_520, %swap3A_521] {strides = array<i32>} : memref<800x128xf32, #tpu.memory_space<vmem>>, vector<1x16xf32>,
        %swap3A_523 = vector.shape_cast %swap3A_522 : vector<1x16xf32> to vector<16xf32>
        %swap3A_524 = vector.shape_cast %mul3A_519 : vector<16xf32> to vector<1x16xf32>
        tpu.vector_store %arg7[%swap3A_520, %swap3A_521], %swap3A_524 {strides = array<i32>} : memref<800x128xf32, #tpu.memory_space<vmem>>, vector<1x16xf32>,
        %get3A_525 = arith.index_cast %add3A_498 : i32 to index
        %get3A_526 = arith.constant 32 : index
        %get3A_527 = tpu.vector_load %arg7[%get3A_525, %get3A_526] {strides = array<i32>} : memref<800x128xf32, #tpu.memory_space<vmem>>, vector<1x16xf32>,
        %get3A_528 = vector.shape_cast %get3A_527 : vector<1x16xf32> to vector<16xf32>
        %add3A_529 = arith.addf %get3A_528, %get3A_436 : vector<16xf32>
        %mul3A_530 = arith.constant 8.000000e+00 : f32
        %mul3A_531 = vector.broadcast %mul3A_530 : f32 to vector<16xf32>
        %mul3A_532 = arith.mulf %add3A_529, %mul3A_531 : vector<16xf32>
        %swap3A_533 = arith.index_cast %add3A_498 : i32 to index
        %swap3A_534 = arith.constant 32 : index
        %swap3A_535 = tpu.vector_load %arg7[%swap3A_533, %swap3A_534] {strides = array<i32>} : memref<800x128xf32, #tpu.memory_space<vmem>>, vector<1x16xf32>,
        %swap3A_536 = vector.shape_cast %swap3A_535 : vector<1x16xf32> to vector<16xf32>
        %swap3A_537 = vector.shape_cast %mul3A_532 : vector<16xf32> to vector<1x16xf32>
        tpu.vector_store %arg7[%swap3A_533, %swap3A_534], %swap3A_537 {strides = array<i32>} : memref<800x128xf32, #tpu.memory_space<vmem>>, vector<1x16xf32>,
        %get3A_538 = arith.index_cast %add3A_498 : i32 to index
        %get3A_539 = arith.constant 48 : index
        %get3A_540 = tpu.vector_load %arg7[%get3A_538, %get3A_539] {strides = array<i32>} : memref<800x128xf32, #tpu.memory_space<vmem>>, vector<1x16xf32>,
        %get3A_541 = vector.shape_cast %get3A_540 : vector<1x16xf32> to vector<16xf32>
        %add3A_542 = arith.addf %get3A_541, %get3A_443 : vector<16xf32>
        %mul3A_543 = arith.constant 8.000000e+00 : f32
        %mul3A_544 = vector.broadcast %mul3A_543 : f32 to vector<16xf32>
        %mul3A_545 = arith.mulf %add3A_542, %mul3A_544 : vector<16xf32>
        %swap3A_546 = arith.index_cast %add3A_498 : i32 to index
        %swap3A_547 = arith.constant 48 : index
        %swap3A_548 = tpu.vector_load %arg7[%swap3A_546, %swap3A_547] {strides = array<i32>} : memref<800x128xf32, #tpu.memory_space<vmem>>, vector<1x16xf32>,
        %swap3A_549 = vector.shape_cast %swap3A_548 : vector<1x16xf32> to vector<16xf32>
        %swap3A_550 = vector.shape_cast %mul3A_545 : vector<16xf32> to vector<1x16xf32>
        tpu.vector_store %arg7[%swap3A_546, %swap3A_547], %swap3A_550 {strides = array<i32>} : memref<800x128xf32, #tpu.memory_space<vmem>>, vector<1x16xf32>,
      }
      %scan3A_380 = arith.constant 200 : i32
      %add3A_381 = arith.addi %mul3A_2, %add3A_374 : i32
      %mul3A_382 = arith.constant 2 : i32
      %mul3A_383 = arith.muli %add3A_381, %mul3A_382 : i32
      %add3A_384 = arith.constant 0 : i32
      %add3A_385 = arith.addi %mul3A_383, %add3A_384 : i32
      %dma_start3A_386 = arith.constant 400 : i32
      %dma_start3A_387 = arith.constant 0 : i32
      %dma_start3A_388 = tpu.memref_slice %arg7[%dma_start3A_386, %dma_start3A_387] : memref<800x128xf32, #tpu.memory_space<vmem>> -> memref<200x128xf32, #tpu.memory_space<vmem>>
      %dma_start3A_389 = arith.constant 0 : i32
      %dma_start3A_390 = arith.constant 0 : i32
      %dma_start3A_391 = tpu.memref_slice %arg5[%add3A_385, %dma_start3A_389, %dma_start3A_390] : memref<4096x200x128xf32, #tpu.memory_space<hbm>> -> memref<1x200x128xf32, #tpu.memory_space<hbm>>
      %dma_start3A_392 = tpu.memref_squeeze %dma_start3A_391 : memref<1x200x128xf32, #tpu.memory_space<hbm>> -> memref<200x128xf32, #tpu.memory_space<hbm>>
      %dma_start3A_393 = arith.constant 0 : i32
      %dma_start3A_394 = arith.constant 0 : i32
      %dma_start3A_395 = tpu.memref_slice %arg5[%add3A_385, %dma_start3A_393, %dma_start3A_394] : memref<4096x200x128xf32, #tpu.memory_space<hbm>> -> memref<1x200x128xf32, #tpu.memory_space<hbm>>
      %dma_start3A_396 = tpu.memref_squeeze %dma_start3A_395 : memref<1x200x128xf32, #tpu.memory_space<hbm>> -> memref<200x128xf32, #tpu.memory_space<hbm>>
      %dma_start3A_397 = arith.constant 400 : i32
      %dma_start3A_398 = arith.constant 0 : i32
      %dma_start3A_399 = tpu.memref_slice %arg7[%dma_start3A_397, %dma_start3A_398] : memref<800x128xf32, #tpu.memory_space<vmem>> -> memref<200x128xf32, #tpu.memory_space<vmem>>
      tpu.enqueue_dma source(%dma_start3A_399 : memref<200x128xf32, #tpu.memory_space<vmem>>) target(%dma_start3A_396 : memref<200x128xf32, #tpu.memory_space<hbm>>) target_semaphore(%arg12 : memref<!tpu.dma_semaphore, #tpu.memory_space<semaphore_mem>>)
      %add3A_400 = arith.constant 1 : i32
      %add3A_401 = arith.addi %mul3A_383, %add3A_400 : i32
      %dma_start3A_402 = arith.constant 600 : i32
      %dma_start3A_403 = arith.constant 0 : i32
      %dma_start3A_404 = tpu.memref_slice %arg7[%dma_start3A_402, %dma_start3A_403] : memref<800x128xf32, #tpu.memory_space<vmem>> -> memref<200x128xf32, #tpu.memory_space<vmem>>
      %dma_start3A_405 = arith.constant 0 : i32
      %dma_start3A_406 = arith.constant 0 : i32
      %dma_start3A_407 = tpu.memref_slice %arg5[%add3A_401, %dma_start3A_405, %dma_start3A_406] : memref<4096x200x128xf32, #tpu.memory_space<hbm>> -> memref<1x200x128xf32, #tpu.memory_space<hbm>>
      %dma_start3A_408 = tpu.memref_squeeze %dma_start3A_407 : memref<1x200x128xf32, #tpu.memory_space<hbm>> -> memref<200x128xf32, #tpu.memory_space<hbm>>
      %dma_start3A_409 = arith.constant 0 : i32
      %dma_start3A_410 = arith.constant 0 : i32
      %dma_start3A_411 = tpu.memref_slice %arg5[%add3A_401, %dma_start3A_409, %dma_start3A_410] : memref<4096x200x128xf32, #tpu.memory_space<hbm>> -> memref<1x200x128xf32, #tpu.memory_space<hbm>>
      %dma_start3A_412 = tpu.memref_squeeze %dma_start3A_411 : memref<1x200x128xf32, #tpu.memory_space<hbm>> -> memref<200x128xf32, #tpu.memory_space<hbm>>
      %dma_start3A_413 = arith.constant 600 : i32
      %dma_start3A_414 = arith.constant 0 : i32
      %dma_start3A_415 = tpu.memref_slice %arg7[%dma_start3A_413, %dma_start3A_414] : memref<800x128xf32, #tpu.memory_space<vmem>> -> memref<200x128xf32, #tpu.memory_space<vmem>>
      tpu.enqueue_dma source(%dma_start3A_415 : memref<200x128xf32, #tpu.memory_space<vmem>>) target(%dma_start3A_412 : memref<200x128xf32, #tpu.memory_space<hbm>>) target_semaphore(%arg12 : memref<!tpu.dma_semaphore, #tpu.memory_space<semaphore_mem>>)
    }
    %scan3A_92 = arith.constant 32 : i32
    %dma_wait3A = arith.constant 0 : i32
    %dma_wait3A_93 = arith.constant 0 : i32
    %dma_wait3A_94 = tpu.memref_slice %arg7[%dma_wait3A, %dma_wait3A_93] : memref<800x128xf32, #tpu.memory_space<vmem>> -> memref<400x128xf32, #tpu.memory_space<vmem>>
    %dma_wait3A_95 = arith.constant 0 : i32
    %dma_wait3A_96 = arith.constant 0 : i32
    %dma_wait3A_97 = tpu.memref_slice %arg3[%dma_wait3A_95, %dma_wait3A_96] : memref<1000000x128xf32, #tpu.memory_space<hbm>> -> memref<400x128xf32, #tpu.memory_space<hbm>>
    %dma_wait3A_98 = arith.constant 0 : i32
    %dma_wait3A_99 = arith.constant 0 : i32
    %dma_wait3A_100 = tpu.memref_slice %arg7[%dma_wait3A_98, %dma_wait3A_99] : memref<800x128xf32, #tpu.memory_space<vmem>> -> memref<400x128xf32, #tpu.memory_space<vmem>>
    %dma_wait3A_101 = arith.constant 0 : i32
    %dma_wait3A_102 = arith.constant 0 : i32
    %dma_wait3A_103 = tpu.memref_slice %arg3[%dma_wait3A_101, %dma_wait3A_102] : memref<1000000x128xf32, #tpu.memory_space<hbm>> -> memref<400x128xf32, #tpu.memory_space<hbm>>
    tpu.wait_dma2 semaphore(%arg9 : memref<!tpu.dma_semaphore, #tpu.memory_space<semaphore_mem>>) src(%dma_wait3A_103 : memref<400x128xf32, #tpu.memory_space<hbm>>) dst(%dma_wait3A_100 : memref<400x128xf32, #tpu.memory_space<vmem>>)
    %dma_wait3A_104 = arith.constant 0 : i32
    %dma_wait3A_105 = arith.constant 0 : i32
    %dma_wait3A_106 = tpu.memref_slice %arg7[%dma_wait3A_104, %dma_wait3A_105] : memref<800x128xf32, #tpu.memory_space<vmem>> -> memref<400x128xf32, #tpu.memory_space<vmem>>
    %dma_wait3A_107 = arith.constant 0 : i32
    %dma_wait3A_108 = arith.constant 0 : i32
    %dma_wait3A_109 = tpu.memref_slice %arg3[%dma_wait3A_107, %dma_wait3A_108] : memref<1000000x128xf32, #tpu.memory_space<hbm>> -> memref<400x128xf32, #tpu.memory_space<hbm>>
    %dma_wait3A_110 = arith.constant 0 : i32
    %dma_wait3A_111 = arith.constant 0 : i32
    %dma_wait3A_112 = tpu.memref_slice %arg7[%dma_wait3A_110, %dma_wait3A_111] : memref<800x128xf32, #tpu.memory_space<vmem>> -> memref<400x128xf32, #tpu.memory_space<vmem>>
    %dma_wait3A_113 = arith.constant 0 : i32
    %dma_wait3A_114 = arith.constant 0 : i32
    %dma_wait3A_115 = tpu.memref_slice %arg3[%dma_wait3A_113, %dma_wait3A_114] : memref<1000000x128xf32, #tpu.memory_space<hbm>> -> memref<400x128xf32, #tpu.memory_space<hbm>>
    tpu.wait_dma2 semaphore(%arg12 : memref<!tpu.dma_semaphore, #tpu.memory_space<semaphore_mem>>) src(%dma_wait3A_115 : memref<400x128xf32, #tpu.memory_space<hbm>>) dst(%dma_wait3A_112 : memref<400x128xf32, #tpu.memory_space<vmem>>)
    return
  }
}

</mosaic_0001>

<sc_bundles>
// kernel: kernel.3.cloned.1.call-start
scs
__scs_entry_jumppad:
0x0: {  	(pc) =	sbr.rel $0x88, $3  }
0x1: {  	(tag) =	ssettag $0x0;
	lr =	simm.s32 $0x1  }
0x2: {  	[smem:$0x3F9E] =	sst lr;
	_ =	strace $0xD0000000  }
0x3: {  	_ = 	snop  }
0x4: {  	_ = 	snop  }
0x5: {  	_ = 	snop  }
0x6: {  	_ = 	snop  }
0x7: {  	_ = 	snop  }
__scs_overlays_trampoline_lowered:
0x8: {  	[smem:$0x3FAD] =	sst s0  }
0x9: {  	[smem:$0x3FAE] =	sst s1  }
0xa: {  	[smem:$0x3FAF] =	sst s2  }
0xb: {  	[smem:$0x3FB0] =	sst s3  }
0xc: {  	[smem:$0x3FB1] =	sst s4  }
0xd: {  	[smem:$0x3FB2] =	sst s5  }
0xe: {  	[smem:$0x3FB3] =	sst s6  }
0xf: {  	[smem:$0x3FB4] =	sst s7  }
0x10: {  	[smem:$0x3FB5] =	sst s8  }
0x11: {  	[smem:$0x3FB6] =	sst s9;
	s0 =	simm.s32 @!p0 $0x0  }
0x12: {  	s1 =	sld [smem:$0x3F9C];
	s0 =	simm.s32 @p0 $0x1  }
0x13: {  	[smem:$0x3FB7] =	sst s0;
	s0 =	simm.s32 @!p1 $0x0  }
0x14: {  	s2 =	sld [smem:$0x3F9B];
	s0 =	simm.s32 @p1 $0x1  }
0x15: {  	[smem:$0x3FB8] =	sst s0;
	s0 =	simm.s32 @!p2 $0x0  }
0x16: {  	s3 =	sld [smem:$0x3FDB];
	s0 =	simm.s32 @p2 $0x1  }
0x17: {  	s4 =	simm.s32 $0x1BF5;
	[smem:$0x3FBA] =	sst s0  }
0x18: {  	s0 =	sld [smem:$0x3F9D];
	_ =	swait.ge [sflag:s4], $0x0  }
0x19: {  	s7 =	sld [smem:$0x3F9E]  }
0x1a: {  	s8 =	sadd.s32 $0xFFFFE003, lr  }
0x1b: {  	s9 =	sadd.s32 $0xFFFFFEF7, lr;
	s5 =	simm.s32 $0xFFFFFFFF;
	p2 =	slt.u32 s8, $0xFFFFF086  }
0x1c: {  	p1 =	slt.u32 s9, $0xF7A;
	s5 =	simm.s32 @!p2 $0x0  }
0x1d: {  	s5 =	simm.s32 @p1 $0x1;
	p0 =	seq.s32 s7, s2  }
0x1e: {  	s7 =	smul.u32 @!p0 $0xF7A, s2;
	p2 =	seq.s32 @!p0 s5, $0x0  }
0x1f: {  	s9 =	smul.u32 $0xF7A, s1;
	s8 =	simm.s32 @!p0 $0x1BF5;
	p2 =	por !p2, p0  }
0x20: {  	[sflag:s8] =	ssyncset.s32 @!p0 $0xFFFFF086;
	s6 =	sadd.s32 @!p0 s3, s7;
	s7 =	simm.s32 @!p0 $0x108  }
0x21: {  	s3 =	sadd.s32 s3, s9;
	s6 =	sadd.s32 @!p0 $0x88, s6;
	s7 =	simm.s32 @p2 $0x1082  }
0x22: {  	[simem:s7], [sflag:s8] =	dma.local @!p0 [hbm:s6], $0xF7A  }
0x23: {  	s9 =	sor.u32 $0xD0000000, s2;
	s6 =	simm.s32 $0x108;
	_ =	swait.ge @!p0 [sflag:s8], $0x0  }
0x24: {  	s3 =	sadd.s32 $0x88, s3;
	s6 =	simm.s32 @!p1 $0x1082;
	[sflag:s4] =	ssyncset.s32 $0xFFFFF086  }
0x25: {  	[simem:s6], [sflag:s4] =	dma.local [hbm:s3], $0xF7A  }
0x26: {  	[smem:$0x3F9E] =	sst s1;
	(tag) =	ssettag s2;
	_ =	strace s9  }
0x27: {  	s1 =	sld [smem:$0x3FAE]  }
0x28: {  	s2 =	sld [smem:$0x3FAF]  }
0x29: {  	s4 =	sld [smem:$0x3FB1]  }
0x2a: {  	p0 =	seq.s32 s5, $0x0;
	s5 =	sld [smem:$0x3FB2]  }
0x2b: {  	s6 =	sld [smem:$0x3FB3]  }
0x2c: {  	s7 =	sld [smem:$0x3FB4]  }
0x2d: {  	s3 =	simm.s32 $0x108;
	s8 =	sld [smem:$0x3FB5]  }
0x2e: {  	s3 =	simm.s32 @!p0 $0x1082;
	s9 =	sld [smem:$0x3FB6]  }
0x2f: {  	lr =	sadd.s32 s0, s3;
	s0 =	sld [smem:$0x3FAD]  }
0x30: {  	s3 =	sld [smem:$0x3FB0]  }
0x31: {  	[smem:$0x3FB9] =	sst s10  }
0x32: {  	s10 =	sld [smem:$0x3FB7];
	_ =	sdelay $0x3  }
0x33: {  	p0 =	seq.s32 s10, $0x1;
	s10 =	sld [smem:$0x3FB9];
	_ =	sdelay $0x3  }
0x34: {  	[smem:$0x3FB9] =	sst s10  }
0x35: {  	s10 =	sld [smem:$0x3FB8];
	_ =	sdelay $0x3  }
0x36: {  	p1 =	seq.s32 s10, $0x1;
	s10 =	sld [smem:$0x3FB9];
	_ =	sdelay $0x3  }
0x37: {  	[smem:$0x3FB9] =	sst s10  }
0x38: {  	s10 =	sld [smem:$0x3FBA]  }
0x39: {  	_ = 	snop;
	(pc) =	sbr.ind lr, $3  }
0x3a: {  	_ = 	snop  }
0x3b: {  	_ = 	snop  }
0x3c: {  	p2 =	seq.s32 s10, $0x1;
	s10 =	sld [smem:$0x3FB9]  }
0x3d: {  	_ =	shalt  }
0x3e: {  	_ =	shalt  }
0x3f: {  	_ =	shalt  }
0x40: {  	_ =	shalt  }
0x41: {  	_ =	shalt  }
0x42: {  	_ =	shalt  }
0x43: {  	_ =	shalt  }
0x44: {  	_ =	shalt  }
0x45: {  	_ =	shalt  }
0x46: {  	_ =	shalt  }
0x47: {  	_ =	shalt  }
0x48: {  	_ =	shalt  }
0x49: {  	_ =	shalt  }
0x4a: {  	_ =	shalt  }
0x4b: {  	_ =	shalt  }
0x4c: {  	_ =	shalt  }
0x4d: {  	_ =	shalt  }
0x4e: {  	_ =	shalt  }
0x4f: {  	_ =	shalt  }
0x50: {  	_ =	shalt  }
0x51: {  	_ =	shalt  }
0x52: {  	_ =	shalt  }
0x53: {  	_ =	shalt  }
0x54: {  	_ =	shalt  }
0x55: {  	_ =	shalt  }
0x56: {  	_ =	shalt  }
0x57: {  	_ =	shalt  }
0x58: {  	_ =	shalt  }
0x59: {  	_ =	shalt  }
0x5a: {  	_ =	shalt  }
0x5b: {  	_ =	shalt  }
0x5c: {  	_ =	shalt  }
0x5d: {  	_ =	shalt  }
0x5e: {  	_ =	shalt  }
0x5f: {  	_ =	shalt  }
0x60: {  	_ =	shalt  }
0x61: {  	_ =	shalt  }
0x62: {  	_ =	shalt  }
0x63: {  	_ =	shalt  }
0x64: {  	_ =	shalt  }
0x65: {  	_ =	shalt  }
0x66: {  	_ =	shalt  }
0x67: {  	_ =	shalt  }
0x68: {  	_ =	shalt  }
0x69: {  	_ =	shalt  }
0x6a: {  	_ =	shalt  }
0x6b: {  	_ =	shalt  }
0x6c: {  	_ =	shalt  }
0x6d: {  	_ =	shalt  }
0x6e: {  	_ =	shalt  }
0x6f: {  	_ =	shalt  }
0x70: {  	_ =	shalt  }
0x71: {  	_ =	shalt  }
0x72: {  	_ =	shalt  }
0x73: {  	_ =	shalt  }
0x74: {  	_ =	shalt  }
0x75: {  	_ =	shalt  }
0x76: {  	_ =	shalt  }
0x77: {  	_ =	shalt  }
0x78: {  	_ =	shalt  }
0x79: {  	_ =	shalt  }
0x7a: {  	_ =	shalt  }
0x7b: {  	_ =	shalt  }
0x7c: {  	_ =	shalt  }
0x7d: {  	_ =	shalt  }
0x7e: {  	_ =	shalt  }
0x7f: {  	_ =	shalt  }
0x80: {  	_ =	shalt  }
0x81: {  	_ =	shalt  }
0x82: {  	_ =	shalt  }
0x83: {  	_ =	shalt  }
0x84: {  	_ =	shalt  }
0x85: {  	_ =	shalt  }
0x86: {  	_ =	shalt  }
0x87: {  	_ =	shalt  }
.Lfunc_end0:
.L_simem_size_0:
called_computation.1_lowered:
.L_overlay_start_0:
0x88: {  	s2 =	sld [smem:$0x3FD9]  }
0x89: {  	s3 =	sld [smem:$0x3FFE];
	_ =	sdelay $0x1  }
0x8a: {  	s1 =	srdreg.scid  }
0x8b: {  	s0 =	sand.u32 $0x1, s1  }
0x8c: {  	s17 =	sshll.u32 s0, $0xA;
	s2 =	sadd.s32 s3, s2  }
0x8d: {  	s2 =	sadd.s32 s2, s17  }
0x8e: {  	[smem:$0x3FC5] =	sst s2  }
0x8f: {  	_ = 	snop  }
0x90: {  	s2 =	sld [smem:$0x3FD0];
	(tm) =	ssettm $0x1  }
0x91: {  	s18 =	sld [smem:$0x3FFB];
	_ =	sdelay $0x3  }
0x92: {  	_ =	strace s18  }
0x93: {  	s3 =	sld [smem:$0x3FFC];
	_ =	sdelay $0x3  }
0x94: {  	_ =	strace s3  }
0x95: {  	s3 =	sld [smem:$0x3FFD];
	_ =	sdelay $0x3  }
0x96: {  	_ =	strace s3  }
0x97: {  	_ =	strace $0x8FFFFFFF  }
0x98: {  	s19 =	sld [smem:$0x3FDB];
	_ =	sdelay $0x1  }
0x99: {  	s4 =	simm.s32 $_scs_section_size  }
0x9a: {  	s5 =	simm.s32 $_size__tile_overlayer_lowered;
	s6 =	simm.s32 $_tile_overlayer_lowered  }
0x9b: {  	s22 =	simm.s32 $0x1BFF;
	s21 =	sshll.u32 s6, $0x1;
	s3 =	sadd.s32 s4, s19  }
0x9c: {  	s7 =	simm.s32 $0x0;
	s20 =	sshll.u32 s5, $0x1;
	s5 =	sadd.s32 s21, s3  }
0x9d: {  	[timem:s7], [sflag:s22] =	dma.local [hbm:s5], s20  }
0x9e: {  	_ =	swait.ge [sflag:s22], s20  }
0x9f: {  	s4 =	ssub.s32 $0x0, s20;
	[sflag:s22] =	ssyncset.done $0x0  }
0xa0: {  	[sflag:s22] =	ssyncadd.s32 s4;
	_ =	sdelay $0x1  }
0xa1: {  	s23 =	simm.s32 $0x1B8B  }
0xa2: {  	_ =	swait.ge [sflag:s23], $0x1  }
0xa3: {  	[sflag:s23] =	ssyncset.done $0x0  }
0xa4: {  	s25 =	simm.s32 $0x1B8E;
	s24 =	sld [smem:$0x3FFE];
	[sflag:s23] =	ssyncadd.s32 $0xFFFFFFFF  }
0xa5: {  	s26 =	simm.s32 $execute0_lowered;
	[smem:$0x3FD2] =	sst s25  }
0xa6: {  	s5 =	sshll.u32 s26, $0x1;
	_ =	strace $0x80000046;
	[dreg:$0x1] =	wrdreg $0xFFFFFFFF  }
0xa7: {  	s28 =	simm.s32 $_size_execute0_lowered;
	s3 =	sadd.s32 s3, s5;
	[dreg:$0x0] =	wrdreg $0x0  }
0xa8: {  	s5 =	sshll.u32 s28, $0x1;
	[dreg:$0x2] =	wrdreg s3  }
0xa9: {  	[dreg:$0x3] =	wrdreg s5  }
0xaa: {  	[dreg:$0x4] =	wrdreg $0xC0  }
0xab: {  	_ =	task [dreg:s7], $0x5FFFF  }
0xac: {  	[dreg:$0x1] =	wrdreg $0xFFFFFFFF  }
0xad: {  	[dreg:$0x0] =	wrdreg $0x60  }
0xae: {  	[dreg:$0x2] =	wrdreg s2  }
0xaf: {  	[dreg:$0x3] =	wrdreg s24  }
0xb0: {  	[dreg:$0x4] =	wrdreg $0x9  }
0xb1: {  	_ =	task.clear_ibuf [dreg:s7], $0x5FFFF;
	_ =	strace $0x90000046  }
0xb2: {  	s29 =	simm.s32 $0x9;
	_ =	strace $0x80000048  }
0xb3: {  	_ =	swait.ge [sflag:s29], $0x1  }
0xb4: {  	[sflag:s29] =	ssyncadd.s32 $0xFFFFFFFF  }
0xb5: {  	_ =	strace $0x90000048  }
0xb6: {  	_ =	sfence  }
0xb7: {  	s30 =	sld [smem:$0x0];
	_ =	sdelay $0x2  }
0xb8: {  	s31 =	sshll.u32 s1, $0xD;
	s1 =	sshrl.u32 s1, $0x2  }
0xb9: {  	s3 =	sand.u32 $0x4000, s31;
	s1 =	sadd.s32 s1, s30  }
0xba: {  	s0 =	sor.u32 s3, s0;
	s1 =	sshll.u32 s1, $0x11  }
0xbb: {  	s0 =	sor.u32 s1, s0  }
0xbc: {  	s0 =	sadd.s32 $0x8F2B, s0  }
0xbd: {  	[sflag:s0] =	ssyncadd.remote.s32 $0x1  }
0xbe: {  	_ =	sfence.sel $0xFFFF  }
0xbf: {  	[dreg:$0x0] =	wrdreg $0xFFFFFFFF;
	(pc) =	sbr.abs _section_cstart, $3  }
0xc0: {  	[dreg:$0x1] =	wrdreg $0xFFFFFFFF  }
0xc1: {  	_ =	task.clear_ibuf [dreg:s7], $0x2FFFF;
	_ =	strace $0x9FFFFFFF  }
0xc2: {  	(tm) =	ssettm $0x7FFFFFFF  }
0xc3: {  	_ =	shalt  }
tec
execute0_lowered:
.L_overlay_start_1:
0x0: {  	(tag) =	ssettag $0x1  }
0x1: {  	s1 =	rddreg [dreg:$0x0]  }
0x2: {  	s0 =	rddreg [dreg:$0x1]  }
0x3: {  	s3 =	simm.s32 $0x0;
	s2 =	srdreg.scid;
	s4 =	stileid.u32  }
0x4: {  	s12 =	simm.s32 $0x5;
	s13 =	simm.s32 $0x28;
	s14 =	simm.s32 $0x380  }
0x5: {  	s23 =	simm.s32 $0x6780;
	s11 =	simm.s32 $0xCB80;
	s19 =	simm.s32 $0x12F80  }
0x6: {  	s22 =	simm.s32 $0x16B80;
	s17 =	simm.s32 $0x2F8;
	s24 =	simm.s32 $0x17F80  }
0x7: {  	s25 =	simm.s32 $0x3;
	s18 =	simm.s32 $0x2;
	s10 =	simm.s32 $0x0  }
0x8: {  	[smem:$0x7FF] =	sst s3;
	s2 =	sand.u32 $0x1, s2;
	s4 =	sshll.u32 s4, $0x1  }
0x9: {  	s6 =	sadd.s32 $0xF43000, s0;
	_ =	strace $0x80000047;
	s5 =	sor.u32 s2, s4  }
0xa: {  	s4 =	sadd.s32 $0xF43800, s0;
	s2 =	ssub.s32 $0x2, s2;
	s8 =	smul.u32 $0xC80, s5  }
0xb: {  	[dreg:$0x3] =	wrdreg s6;
	s6 =	sadd.s32 $0xC00, s0;
	s30 =	sshrl.u32 s2, $0x1  }
0xc: {  	s7 =	sshll.u32 s5, $0x6;
	s0 =	ssub.s32 s2, s30;
	s31 =	sadd.s32 s1, s8  }
0xd: {  	s5 =	simm.s32 $0x1;
	s0 =	smax.u32 s0, $0x1;
	[dreg:$0x4] =	wrdreg s31  }
0xe: {  	s9 =	sor.u32 $0x2, s7;
	s2 =	simm.s32 $0x190;
	[dreg:$0x5] =	wrdreg s0  }
.LBB2_1:
0xf: {  	[dreg:$0x6] =	wrdreg s10  }
0x10: {  	s0 =	rddreg [dreg:$0x3];
	s8 =	simm.s32 $0x19380  }
0x11: {  	[tilespmem:s8], [sflag:$0x5] =	stream.linear.gather [hbm4b:s0+s3], $0x3200, $0x38;
	[tilespmem:$0x1C580] =	vst v63  }
0x12: {  	_ =	swait.ge [sflag:s12], $0x3200  }
0x13: {  	[sflag:s12] =	ssyncset.done $0x0  }
0x14: {  	s21 =	rddreg [dreg:$0x4];
	[sflag:s12] =	ssyncadd.s32 $0xFFFFCE00  }
0x15: {  	[tilespmem:s3], [sflag:$0x5] =	stream.linear.gather [hbm4b:s21+s3], $0x190, $0x38;
	[tilespmem:$0x1C580] =	vst v63  }
0x16: {  	_ =	swait.ge [sflag:s12], $0x190  }
0x17: {  	[sflag:s12] =	ssyncset.done $0x0  }
0x18: {  	[sflag:s12] =	ssyncadd.s32 $0xFFFFFE70  }
0x19: {  	[tilespmem:s14], [sflag:$0x1] =	stream.indirect.gather [hbm4b:s4+s13], $0x80, s3, s13, $0xb8;
	[tilespmem:$0x1C580] =	vst v63  }
0x1a: {  	s26 =	simm.s32 $0x1780  }
0x1b: {  	[tilespmem:s26], [sflag:$0x1] =	stream.indirect.gather [hbm4b:s4+s13], $0x80, s13, s13, $0xb8;
	[tilespmem:$0x1C580] =	vst v63  }
0x1c: {  	s28 =	simm.s32 $0x50;
	s29 =	simm.s32 $0x2B80  }
0x1d: {  	[tilespmem:s29], [sflag:$0x1] =	stream.indirect.gather [hbm4b:s4+s13], $0x80, s28, s13, $0xb8;
	[tilespmem:$0x1C580] =	vst v63  }
0x1e: {  	s30 =	simm.s32 $0x78;
	s31 =	simm.s32 $0x3F80  }
0x1f: {  	[tilespmem:s31], [sflag:$0x1] =	stream.indirect.gather [hbm4b:s4+s13], $0x80, s30, s13, $0xb8;
	[tilespmem:$0x1C580] =	vst v63  }
0x20: {  	s10 =	simm.s32 $0x5380;
	s8 =	simm.s32 $0xA0  }
0x21: {  	[tilespmem:s10], [sflag:$0x1] =	stream.indirect.gather [hbm4b:s4+s13], $0x80, s8, s13, $0xb8;
	[tilespmem:$0x1C580] =	vst v63  }
0x22: {  	s15 =	simm.s32 $0xC8  }
0x23: {  	[tilespmem:s23], [sflag:$0x1] =	stream.indirect.gather [hbm4b:s4+s13], $0x80, s15, s13, $0xb8;
	[tilespmem:$0x1C580] =	vst v63  }
0x24: {  	s16 =	simm.s32 $0xF0;
	s20 =	simm.s32 $0x7B80  }
0x25: {  	[tilespmem:s20], [sflag:$0x1] =	stream.indirect.gather [hbm4b:s4+s13], $0x80, s16, s13, $0xb8;
	[tilespmem:$0x1C580] =	vst v63  }
0x26: {  	s21 =	simm.s32 $0x118;
	s26 =	simm.s32 $0x8F80  }
0x27: {  	[tilespmem:s26], [sflag:$0x1] =	stream.indirect.gather [hbm4b:s4+s13], $0x80, s21, s13, $0xb8;
	[tilespmem:$0x1C580] =	vst v63  }
0x28: {  	s28 =	simm.s32 $0x140;
	s29 =	simm.s32 $0xA380  }
0x29: {  	[tilespmem:s29], [sflag:$0x1] =	stream.indirect.gather [hbm4b:s4+s13], $0x80, s28, s13, $0xb8;
	[tilespmem:$0x1C580] =	vst v63  }
0x2a: {  	s30 =	simm.s32 $0x168;
	s31 =	simm.s32 $0xB780;
	s26 =	simm.s32 $0x0  }
0x2b: {  	[tilespmem:s31], [sflag:$0x1] =	stream.indirect.gather [hbm4b:s4+s13], $0x80, s30, s13, $0xb8;
	[tilespmem:$0x1C580] =	vst v63  }
.LBB2_2:
0x2c: {  	s28 =	sshll.u32 s26, $0x1  }
0x2d: {  	p0 =	seq.s32 s26, $0x0;
	s29 =	sor.u32 s28, s7  }
0x2e: {  	s0 =	simm.s32 @!p0 $0x4;
	s8 =	sor.u32 $0x1, s29  }
0x2f: {  	_ =	swait.ge @!p0 [sflag:s0], $0xC800;
	s10 =	smul.u32 $0x32, s8  }
0x30: {  	[sflag:s0] =	ssyncset.done @!p0 $0x0  }
0x31: {  	s16 =	simm.s32 $0x0;
	[sflag:s0] =	ssyncadd.s32 @!p0 $0xFFFF3800;
	s15 =	sadd.s32 s1, s10  }
0x32: {  	[tilespmem:s2], [sflag:$0x5] =	stream.linear.gather [hbm4b:s15+s16], $0x190, $0x38;
	[tilespmem:$0x1C580] =	vst v63  }
0x33: {  	_ =	swait.ge [sflag:s12], $0x190  }
0x34: {  	[sflag:s12] =	ssyncset.done $0x0  }
0x35: {  	[sflag:s12] =	ssyncadd.s32 $0xFFFFFE70  }
0x36: {  	[tilespmem:s11], [sflag:$0x2] =	stream.indirect.gather [hbm4b:s4+s13], $0x80, s2, s13, $0xb8;
	[tilespmem:$0x1C580] =	vst v63  }
0x37: {  	s20 =	simm.s32 $0x1B8;
	s21 =	simm.s32 $0xDF80  }
0x38: {  	[tilespmem:s21], [sflag:$0x2] =	stream.indirect.gather [hbm4b:s4+s13], $0x80, s20, s13, $0xb8;
	[tilespmem:$0x1C580] =	vst v63  }
0x39: {  	s15 =	simm.s32 $0x1E0;
	s16 =	simm.s32 $0xF380  }
0x3a: {  	[tilespmem:s16], [sflag:$0x2] =	stream.indirect.gather [hbm4b:s4+s13], $0x80, s15, s13, $0xb8;
	[tilespmem:$0x1C580] =	vst v63  }
0x3b: {  	s20 =	simm.s32 $0x208;
	s21 =	simm.s32 $0x10780  }
0x3c: {  	[tilespmem:s21], [sflag:$0x2] =	stream.indirect.gather [hbm4b:s4+s13], $0x80, s20, s13, $0xb8;
	[tilespmem:$0x1C580] =	vst v63  }
0x3d: {  	s10 =	simm.s32 $0x230;
	s15 =	simm.s32 $0x11B80  }
0x3e: {  	[tilespmem:s15], [sflag:$0x2] =	stream.indirect.gather [hbm4b:s4+s13], $0x80, s10, s13, $0xb8;
	[tilespmem:$0x1C580] =	vst v63  }
0x3f: {  	s16 =	simm.s32 $0x258  }
0x40: {  	[tilespmem:s19], [sflag:$0x2] =	stream.indirect.gather [hbm4b:s4+s13], $0x80, s16, s13, $0xb8;
	[tilespmem:$0x1C580] =	vst v63  }
0x41: {  	s20 =	simm.s32 $0x280;
	s21 =	simm.s32 $0x14380  }
0x42: {  	[tilespmem:s21], [sflag:$0x2] =	stream.indirect.gather [hbm4b:s4+s13], $0x80, s20, s13, $0xb8;
	[tilespmem:$0x1C580] =	vst v63  }
0x43: {  	s15 =	simm.s32 $0x2A8;
	s16 =	simm.s32 $0x15780  }
0x44: {  	[tilespmem:s16], [sflag:$0x2] =	stream.indirect.gather [hbm4b:s4+s13], $0x80, s15, s13, $0xb8;
	[tilespmem:$0x1C580] =	vst v63  }
0x45: {  	s20 =	simm.s32 $0x2D0  }
0x46: {  	[tilespmem:s22], [sflag:$0x2] =	stream.indirect.gather [hbm4b:s4+s13], $0x80, s20, s13, $0xb8;
	[tilespmem:$0x1C580] =	vst v63  }
0x47: {  	_ = 	snop  }
0x48: {  	[tilespmem:s24], [sflag:$0x2] =	stream.indirect.gather [hbm4b:s4+s13], $0x80, s17, s13, $0xb8;
	[tilespmem:$0x1C580] =	vst v63  }
0x49: {  	_ =	swait.ge [sflag:s5], $0xC800  }
0x4a: {  	[sflag:s5] =	ssyncset.done $0x0  }
0x4b: {  	s20 =	simm.s32 $0x0;
	[sflag:s5] =	ssyncadd.s32 $0xFFFF3800  }
0x4c: {  	v0 =	vld [tilespmem:s20+$0x6790]  }
0x4d: {  	v1 =	vld [tilespmem:s20+$0x67B0]  }
0x4e: {  	s21 =	simm.s32 $0x193A0;
	v2 =	vld [tilespmem:s20+$0x390]  }
0x4f: {  	v3 =	vld [tilespmem:s21+$0xFFFFFFF0]  }
0x50: {  	v4 =	vld [tilespmem:s20+$0x67A0]  }
0x51: {  	v5 =	vld [tilespmem:s20+$0x3A0]  }
0x52: {  	v6 =	vld [tilespmem:s21+$0x10]  }
0x53: {  	v7 =	vld [tilespmem:s20+$0x3B0]  }
0x54: {  	v8 =	vld [tilespmem:s21+$0x0];
	v0 =	vadd.f32 v0, v3  }
0x55: {  	v9 =	vld [tilespmem:s20+$0x6780];
	v2 =	vadd.f32 v2, v3  }
0x56: {  	v3 =	vld [tilespmem:s21+$0xFFFFFFE0];
	v0 =	vmul.f32 $8.000000000e+00, v0  }
0x57: {  	v1 =	vadd.f32 v1, v6;
	v2 =	vmul.f32 $8.000000000e+00, v2  }
0x58: {  	s10 =	simm.s32 $0x80;
	v10 =	vld [tilespmem:s20+$0x380];
	[tilespmem:s20+$0x6790] =	vst v0;
	v0 =	vadd.f32 v7, v6  }
0x59: {  	v6 =	vmul.f32 $8.000000000e+00, v1;
	v1 =	vld [tilespmem:s10+$0x6790];
	[tilespmem:s20+$0x390] =	vst v2;
	v2 =	vadd.f32 v4, v8  }
0x5a: {  	v5 =	vadd.f32 v5, v8;
	v4 =	vmul.f32 $8.000000000e+00, v0  }
0x5b: {  	[tilespmem:s20+$0x67B0] =	vst v6;
	v6 =	vadd.f32 v9, v3;
	v2 =	vmul.f32 $8.000000000e+00, v2  }
0x5c: {  	v5 =	vmul.f32 $8.000000000e+00, v5;
	v0 =	vld [tilespmem:s10+$0x67B0];
	[tilespmem:s20+$0x3B0] =	vst v4  }
0x5d: {  	v7 =	vadd.f32 v10, v3;
	v6 =	vmul.f32 $8.000000000e+00, v6;
	v4 =	vld [tilespmem:s10+$0x390];
	[tilespmem:s20+$0x67A0] =	vst v2  }
0x5e: {  	s30 =	simm.s32 $0x100;
	s31 =	simm.s32 $0x19420;
	v2 =	vld [tilespmem:s10+$0x67A0];
	[tilespmem:s20+$0x3A0] =	vst v5  }
0x5f: {  	s0 =	simm.s32 $0x600;
	s15 =	simm.s32 $0x193E0;
	s21 =	simm.s32 $0x19420;
	v5 =	vmul.f32 $8.000000000e+00, v7;
	v3 =	vld [tilespmem:s10+$0x3A0];
	[tilespmem:s20+$0x6780] =	vst v6  }
.LBB2_3:
0x60: {  	p0 =	sne.s32 s0, $0x18E00;
	s21 =	sadd.s32 $0x40, s21;
	s16 =	smov.u32 s0  }
0x61: {  	v6 =	vld [tilespmem:s10+$0x3B0];
	[tilespmem:s20+$0x380] =	vst v5;
	s0 =	sadd.s32 $0x200, s0;
	s20 =	smov.u32 s10;
	s10 =	smov.u32 s30  }
0x62: {  	v5 =	vld [tilespmem:s15+$0xFFFFFFF0]  }
0x63: {  	v7 =	vld [tilespmem:s15+$0x0]  }
0x64: {  	v8 =	vld [tilespmem:s15+$0x10];
	_ =	sdelay $0x1  }
0x65: {  	v9 =	vld [tilespmem:s20+$0x6780]  }
0x66: {  	v10 =	vld [tilespmem:s20+$0x380];
	v4 =	vadd.f32 v4, v5;
	v1 =	vadd.f32 v1, v5  }
0x67: {  	s30 =	sshra.s32 s16, $0x2;
	v5 =	vld [tilespmem:s15+$0xFFFFFFE0];
	v3 =	vadd.f32 v3, v7;
	v2 =	vadd.f32 v2, v7;
	s15 =	smov.u32 s31;
	s31 =	smov.u32 s21  }
0x68: {  	v6 =	vadd.f32 v6, v8;
	v1 =	vmul.f32 $8.000000000e+00, v1;
	v0 =	vadd.f32 v0, v8  }
0x69: {  	v4 =	vmul.f32 $8.000000000e+00, v4;
	v2 =	vmul.f32 $8.000000000e+00, v2  }
0x6a: {  	v6 =	vmul.f32 $8.000000000e+00, v6;
	[tilespmem:s20+$0x6790] =	vst v1;
	v0 =	vmul.f32 $8.000000000e+00, v0  }
0x6b: {  	v3 =	vmul.f32 $8.000000000e+00, v3;
	v1 =	vld [tilespmem:s10+$0x6790];
	[tilespmem:s20+$0x390] =	vst v4  }
.Ltmp0:
0x6c: {  	v7 =	vadd.f32 v10, v5;
	v8 =	vadd.f32 v9, v5;
	[tilespmem:s20+$0x67B0] =	vst v0;
	(pc) =	sbr.rel @p0 .LBB2_3-.Ltmp0, $4  }
0x6d: {  	v0 =	vld [tilespmem:s10+$0x67B0];
	[tilespmem:s20+$0x3B0] =	vst v6  }
0x6e: {  	v4 =	vld [tilespmem:s10+$0x390];
	v5 =	vmul.f32 $8.000000000e+00, v7;
	v6 =	vmul.f32 $8.000000000e+00, v8;
	[tilespmem:s20+$0x67A0] =	vst v2  }
0x6f: {  	v2 =	vld [tilespmem:s10+$0x67A0];
	[tilespmem:s20+$0x3A0] =	vst v3  }
0x70: {  	v3 =	vld [tilespmem:s10+$0x3A0];
	[tilespmem:s20+$0x6780] =	vst v6  }
0x71: {  	v6 =	vld [tilespmem:s10+$0x3B0];
	[tilespmem:s20+$0x380] =	vst v5  }
0x72: {  	v5 =	vld [tilespmem:s15+$0xFFFFFFF0];
	_ =	sdelay $0x2  }
0x73: {  	v7 =	vld [tilespmem:s15+$0x10];
	_ =	sdelay $0x1  }
0x74: {  	v8 =	vld [tilespmem:s15+$0x0];
	v1 =	vadd.f32 v1, v5  }
0x75: {  	v9 =	vld [tilespmem:s10+$0x6780]  }
0x76: {  	v4 =	vadd.f32 v4, v5;
	v5 =	vld [tilespmem:s15+$0xFFFFFFE0];
	v1 =	vmul.f32 $8.000000000e+00, v1  }
0x77: {  	v10 =	vld [tilespmem:s10+$0x380];
	v0 =	vadd.f32 v0, v7  }
0x78: {  	v4 =	vmul.f32 $8.000000000e+00, v4;
	[tilespmem:s10+$0x6790] =	vst v1;
	v1 =	vadd.f32 v6, v7  }
0x79: {  	v2 =	vadd.f32 v2, v8;
	v0 =	vmul.f32 $8.000000000e+00, v0  }
0x7a: {  	v3 =	vadd.f32 v3, v8;
	v6 =	vld [tilespmem:s30+$0x6790];
	[tilespmem:s10+$0x390] =	vst v4;
	v1 =	vmul.f32 $8.000000000e+00, v1  }
0x7b: {  	v2 =	vmul.f32 $8.000000000e+00, v2;
	[tilespmem:s10+$0x67B0] =	vst v0;
	v4 =	vadd.f32 v9, v5  }
0x7c: {  	v3 =	vmul.f32 $8.000000000e+00, v3;
	v5 =	vadd.f32 v10, v5;
	v0 =	vld [tilespmem:s30+$0x67B0];
	[tilespmem:s10+$0x3B0] =	vst v1  }
0x7d: {  	v4 =	vmul.f32 $8.000000000e+00, v4;
	v1 =	vld [tilespmem:s30+$0x390];
	[tilespmem:s10+$0x67A0] =	vst v2  }
0x7e: {  	v5 =	vmul.f32 $8.000000000e+00, v5;
	v2 =	vld [tilespmem:s30+$0x67A0];
	[tilespmem:s10+$0x3A0] =	vst v3  }
0x7f: {  	v3 =	vld [tilespmem:s30+$0x3A0];
	[tilespmem:s10+$0x6780] =	vst v4  }
0x80: {  	v4 =	vld [tilespmem:s30+$0x3B0];
	[tilespmem:s10+$0x380] =	vst v5  }
0x81: {  	v5 =	vld [tilespmem:s31+$0xFFFFFFF0];
	_ =	sdelay $0x1  }
0x82: {  	v7 =	vld [tilespmem:s31+$0x10];
	_ =	sdelay $0x1  }
0x83: {  	v58 =	vld [tilespmem:s31+$0x0]  }
0x84: {  	v59 =	vld [tilespmem:s30+$0x6780];
	v6 =	vadd.f32 v6, v5  }
0x85: {  	v1 =	vadd.f32 v1, v5;
	v5 =	vld [tilespmem:s31+$0xFFFFFFE0]  }
0x86: {  	v60 =	vld [tilespmem:s30+$0x380];
	v0 =	vadd.f32 v0, v7;
	v6 =	vmul.f32 $8.000000000e+00, v6  }
0x87: {  	v4 =	vadd.f32 v4, v7;
	v1 =	vmul.f32 $8.000000000e+00, v1  }
0x88: {  	v2 =	vadd.f32 v2, v58;
	v0 =	vmul.f32 $8.000000000e+00, v0;
	[tilespmem:s30+$0x6790] =	vst v6  }
0x89: {  	v3 =	vadd.f32 v3, v58;
	v4 =	vmul.f32 $8.000000000e+00, v4;
	[tilespmem:s30+$0x390] =	vst v1  }
0x8a: {  	v1 =	vmul.f32 $8.000000000e+00, v2;
	[tilespmem:s30+$0x67B0] =	vst v0;
	v2 =	vadd.f32 v59, v5  }
0x8b: {  	v0 =	vmul.f32 $8.000000000e+00, v3;
	[tilespmem:s30+$0x3B0] =	vst v4;
	v3 =	vadd.f32 v60, v5  }
0x8c: {  	s0 =	smul.u32 $0x1900, s29;
	[tilespmem:s30+$0x67A0] =	vst v1;
	v2 =	vmul.f32 $8.000000000e+00, v2  }
0x8d: {  	s31 =	smul.u32 $0xC800, s29;
	[tilespmem:s30+$0x3A0] =	vst v0;
	v1 =	vmul.f32 $8.000000000e+00, v3  }
0x8e: {  	[tilespmem:s30+$0x6780] =	vst v2  }
0x8f: {  	s0 =	sadd.s32 s6, s0;
	s16 =	sshrl.u32 s31, $0x3;
	[tilespmem:s30+$0x380] =	vst v1;
	s30 =	simm.s32 $0x0  }
0x90: {  	[hbm4b:s0+s30] =	stream.linear.scatter [tilespmem:s14], [sflag:$0x3], $0x6400, $0x38;
	[tilespmem:$0x1C580] =	vst v63  }
0x91: {  	s0 =	sadd.s32 s6, s16  }
0x92: {  	s20 =	smin.u32 s28, $0x3D;
	s0 =	sadd.s32 $0xC80, s0  }
0x93: {  	[hbm4b:s0+s30] =	stream.linear.scatter [tilespmem:s23], [sflag:$0x3], $0x6400, $0x38;
	[tilespmem:$0x1C580] =	vst v63  }
0x94: {  	s0 =	sadd.s32 s20, s9  }
0x95: {  	_ =	swait.ge [sflag:s25], $0xC800;
	s0 =	smul.u32 $0x32, s0  }
0x96: {  	[sflag:s25] =	ssyncset.done $0x0  }
0x97: {  	[sflag:s25] =	ssyncadd.s32 $0xFFFF3800;
	s0 =	sadd.s32 s1, s0  }
0x98: {  	[tilespmem:s30], [sflag:$0x5] =	stream.linear.gather [hbm4b:s0+s30], $0x190, $0x38;
	[tilespmem:$0x1C580] =	vst v63  }
0x99: {  	_ =	swait.ge [sflag:s12], $0x190  }
0x9a: {  	[sflag:s12] =	ssyncset.done $0x0  }
0x9b: {  	[sflag:s12] =	ssyncadd.s32 $0xFFFFFE70  }
0x9c: {  	[tilespmem:s14], [sflag:$0x1] =	stream.indirect.gather [hbm4b:s4+s13], $0x80, s30, s13, $0xb8;
	[tilespmem:$0x1C580] =	vst v63  }
0x9d: {  	s21 =	simm.s32 $0x1780  }
0x9e: {  	[tilespmem:s21], [sflag:$0x1] =	stream.indirect.gather [hbm4b:s4+s13], $0x80, s13, s13, $0xb8;
	[tilespmem:$0x1C580] =	vst v63  }
0x9f: {  	s31 =	simm.s32 $0x2B80;
	s30 =	simm.s32 $0x50  }
0xa0: {  	[tilespmem:s31], [sflag:$0x1] =	stream.indirect.gather [hbm4b:s4+s13], $0x80, s30, s13, $0xb8;
	[tilespmem:$0x1C580] =	vst v63  }
0xa1: {  	s15 =	simm.s32 $0x3F80;
	s10 =	simm.s32 $0x78  }
0xa2: {  	[tilespmem:s15], [sflag:$0x1] =	stream.indirect.gather [hbm4b:s4+s13], $0x80, s10, s13, $0xb8;
	[tilespmem:$0x1C580] =	vst v63  }
0xa3: {  	s16 =	simm.s32 $0xA0;
	s20 =	simm.s32 $0x5380  }
0xa4: {  	[tilespmem:s20], [sflag:$0x1] =	stream.indirect.gather [hbm4b:s4+s13], $0x80, s16, s13, $0xb8;
	[tilespmem:$0x1C580] =	vst v63  }
0xa5: {  	s21 =	simm.s32 $0xC8  }
0xa6: {  	[tilespmem:s23], [sflag:$0x1] =	stream.indirect.gather [hbm4b:s4+s13], $0x80, s21, s13, $0xb8;
	[tilespmem:$0x1C580] =	vst v63  }
0xa7: {  	s30 =	simm.s32 $0xF0;
	s31 =	simm.s32 $0x7B80  }
0xa8: {  	[tilespmem:s31], [sflag:$0x1] =	stream.indirect.gather [hbm4b:s4+s13], $0x80, s30, s13, $0xb8;
	[tilespmem:$0x1C580] =	vst v63  }
0xa9: {  	s10 =	simm.s32 $0x118;
	s15 =	simm.s32 $0x8F80  }
0xaa: {  	[tilespmem:s15], [sflag:$0x1] =	stream.indirect.gather [hbm4b:s4+s13], $0x80, s10, s13, $0xb8;
	[tilespmem:$0x1C580] =	vst v63  }
0xab: {  	s16 =	simm.s32 $0x140;
	s20 =	simm.s32 $0xA380  }
0xac: {  	[tilespmem:s20], [sflag:$0x1] =	stream.indirect.gather [hbm4b:s4+s13], $0x80, s16, s13, $0xb8;
	[tilespmem:$0x1C580] =	vst v63  }
0xad: {  	s21 =	simm.s32 $0x168;
	s30 =	simm.s32 $0xB780  }
0xae: {  	[tilespmem:s30], [sflag:$0x1] =	stream.indirect.gather [hbm4b:s4+s13], $0x80, s21, s13, $0xb8;
	[tilespmem:$0x1C580] =	vst v63  }
0xaf: {  	_ =	swait.ge [sflag:s18], $0xC800  }
0xb0: {  	[sflag:s18] =	ssyncset.done $0x0  }
0xb1: {  	s20 =	simm.s32 $0x0;
	[sflag:s18] =	ssyncadd.s32 $0xFFFF3800  }
0xb2: {  	v0 =	vld [tilespmem:s20+$0x12F90]  }
0xb3: {  	v1 =	vld [tilespmem:s20+$0x12FB0]  }
0xb4: {  	s31 =	simm.s32 $0x193A0;
	v2 =	vld [tilespmem:s20+$0xCB90]  }
0xb5: {  	v3 =	vld [tilespmem:s31+$0xFFFFFFF0]  }
0xb6: {  	v4 =	vld [tilespmem:s20+$0x12FA0]  }
0xb7: {  	v5 =	vld [tilespmem:s20+$0xCBA0]  }
0xb8: {  	v6 =	vld [tilespmem:s31+$0x10]  }
0xb9: {  	v7 =	vld [tilespmem:s20+$0xCBB0]  }
0xba: {  	v61 =	vld [tilespmem:s31+$0x0];
	v0 =	vadd.f32 v0, v3  }
0xbb: {  	v62 =	vld [tilespmem:s20+$0x12F80];
	v2 =	vadd.f32 v2, v3  }
0xbc: {  	v3 =	vld [tilespmem:s31+$0xFFFFFFE0];
	v0 =	vmul.f32 $8.000000000e+00, v0  }
0xbd: {  	v1 =	vadd.f32 v1, v6;
	v2 =	vmul.f32 $8.000000000e+00, v2  }
0xbe: {  	s10 =	simm.s32 $0x80;
	v63 =	vld [tilespmem:s20+$0xCB80];
	[tilespmem:s20+$0x12F90] =	vst v0;
	v0 =	vadd.f32 v7, v6  }
0xbf: {  	v6 =	vmul.f32 $8.000000000e+00, v1;
	v1 =	vld [tilespmem:s10+$0x12F90];
	[tilespmem:s20+$0xCB90] =	vst v2;
	v2 =	vadd.f32 v4, v61  }
0xc0: {  	v5 =	vadd.f32 v5, v61;
	v4 =	vmul.f32 $8.000000000e+00, v0  }
0xc1: {  	[tilespmem:s20+$0x12FB0] =	vst v6;
	v6 =	vadd.f32 v62, v3;
	v2 =	vmul.f32 $8.000000000e+00, v2  }
0xc2: {  	v5 =	vmul.f32 $8.000000000e+00, v5;
	v0 =	vld [tilespmem:s10+$0x12FB0];
	[tilespmem:s20+$0xCBB0] =	vst v4  }
0xc3: {  	v7 =	vadd.f32 v63, v3;
	v6 =	vmul.f32 $8.000000000e+00, v6;
	v4 =	vld [tilespmem:s10+$0xCB90];
	[tilespmem:s20+$0x12FA0] =	vst v2  }
0xc4: {  	s28 =	simm.s32 $0x100;
	s29 =	simm.s32 $0x19420;
	v2 =	vld [tilespmem:s10+$0x12FA0];
	[tilespmem:s20+$0xCBA0] =	vst v5  }
0xc5: {  	s0 =	simm.s32 $0x600;
	s15 =	simm.s32 $0x193E0;
	s21 =	simm.s32 $0x19420;
	v5 =	vmul.f32 $8.000000000e+00, v7;
	v3 =	vld [tilespmem:s10+$0xCBA0];
	[tilespmem:s20+$0x12F80] =	vst v6  }
.LBB2_5:
0xc6: {  	p0 =	sne.s32 s0, $0x18E00;
	s21 =	sadd.s32 $0x40, s21;
	s16 =	smov.u32 s0  }
0xc7: {  	v6 =	vld [tilespmem:s10+$0xCBB0];
	[tilespmem:s20+$0xCB80] =	vst v5;
	s0 =	sadd.s32 $0x200, s0;
	s20 =	smov.u32 s10;
	s10 =	smov.u32 s28  }
0xc8: {  	v5 =	vld [tilespmem:s15+$0xFFFFFFF0]  }
0xc9: {  	v7 =	vld [tilespmem:s15+$0x0]  }
0xca: {  	v8 =	vld [tilespmem:s15+$0x10];
	_ =	sdelay $0x1  }
0xcb: {  	v9 =	vld [tilespmem:s20+$0x12F80]  }
0xcc: {  	v10 =	vld [tilespmem:s20+$0xCB80];
	v4 =	vadd.f32 v4, v5;
	v1 =	vadd.f32 v1, v5  }
0xcd: {  	s28 =	sshra.s32 s16, $0x2;
	v5 =	vld [tilespmem:s15+$0xFFFFFFE0];
	v3 =	vadd.f32 v3, v7;
	v2 =	vadd.f32 v2, v7;
	s15 =	smov.u32 s29;
	s29 =	smov.u32 s21  }
0xce: {  	v6 =	vadd.f32 v6, v8;
	v1 =	vmul.f32 $8.000000000e+00, v1;
	v0 =	vadd.f32 v0, v8  }
0xcf: {  	v4 =	vmul.f32 $8.000000000e+00, v4;
	v2 =	vmul.f32 $8.000000000e+00, v2  }
0xd0: {  	v6 =	vmul.f32 $8.000000000e+00, v6;
	[tilespmem:s20+$0x12F90] =	vst v1;
	v0 =	vmul.f32 $8.000000000e+00, v0  }
0xd1: {  	v3 =	vmul.f32 $8.000000000e+00, v3;
	v1 =	vld [tilespmem:s10+$0x12F90];
	[tilespmem:s20+$0xCB90] =	vst v4  }
.Ltmp1:
0xd2: {  	v7 =	vadd.f32 v10, v5;
	v8 =	vadd.f32 v9, v5;
	[tilespmem:s20+$0x12FB0] =	vst v0;
	(pc) =	sbr.rel @p0 .LBB2_5-.Ltmp1, $4  }
0xd3: {  	v0 =	vld [tilespmem:s10+$0x12FB0];
	[tilespmem:s20+$0xCBB0] =	vst v6  }
0xd4: {  	v4 =	vld [tilespmem:s10+$0xCB90];
	v5 =	vmul.f32 $8.000000000e+00, v7;
	v6 =	vmul.f32 $8.000000000e+00, v8;
	[tilespmem:s20+$0x12FA0] =	vst v2  }
0xd5: {  	v2 =	vld [tilespmem:s10+$0x12FA0];
	[tilespmem:s20+$0xCBA0] =	vst v3  }
0xd6: {  	v3 =	vld [tilespmem:s10+$0xCBA0];
	[tilespmem:s20+$0x12F80] =	vst v6  }
0xd7: {  	v6 =	vld [tilespmem:s10+$0xCBB0];
	[tilespmem:s20+$0xCB80] =	vst v5  }
0xd8: {  	v5 =	vld [tilespmem:s15+$0xFFFFFFF0];
	_ =	sdelay $0x1  }
0xd9: {  	v7 =	vld [tilespmem:s15+$0x10];
	_ =	sdelay $0x1  }
0xda: {  	v8 =	vld [tilespmem:s15+$0x0]  }
0xdb: {  	v9 =	vld [tilespmem:s10+$0x12F80];
	v1 =	vadd.f32 v1, v5  }
0xdc: {  	v50 =	vld [tilespmem:s15+$0xFFFFFFE0];
	v4 =	vadd.f32 v4, v5  }
0xdd: {  	v10 =	vld [tilespmem:s10+$0xCB80];
	v0 =	vadd.f32 v0, v7;
	v1 =	vmul.f32 $8.000000000e+00, v1  }
0xde: {  	v51 =	vadd.f32 v6, v7;
	v4 =	vmul.f32 $8.000000000e+00, v4  }
0xdf: {  	v2 =	vadd.f32 v2, v8;
	v0 =	vmul.f32 $8.000000000e+00, v0;
	[tilespmem:s10+$0x12F90] =	vst v1  }
0xe0: {  	v3 =	vadd.f32 v3, v8;
	v1 =	vmul.f32 $8.000000000e+00, v51;
	v52 =	vld [tilespmem:s28+$0x12F90];
	[tilespmem:s10+$0xCB90] =	vst v4  }
0xe1: {  	v53 =	vadd.f32 v9, v50;
	v2 =	vmul.f32 $8.000000000e+00, v2;
	[tilespmem:s10+$0x12FB0] =	vst v0  }
0xe2: {  	v5 =	vadd.f32 v10, v50;
	v3 =	vmul.f32 $8.000000000e+00, v3;
	v0 =	vld [tilespmem:s28+$0x12FB0];
	[tilespmem:s10+$0xCBB0] =	vst v1  }
0xe3: {  	v4 =	vmul.f32 $8.000000000e+00, v53;
	v1 =	vld [tilespmem:s28+$0xCB90];
	[tilespmem:s10+$0x12FA0] =	vst v2  }
0xe4: {  	v5 =	vmul.f32 $8.000000000e+00, v5;
	v2 =	vld [tilespmem:s28+$0x12FA0];
	[tilespmem:s10+$0xCBA0] =	vst v3  }
0xe5: {  	v3 =	vld [tilespmem:s28+$0xCBA0];
	[tilespmem:s10+$0x12F80] =	vst v4  }
0xe6: {  	v4 =	vld [tilespmem:s28+$0xCBB0];
	[tilespmem:s10+$0xCB80] =	vst v5  }
0xe7: {  	v5 =	vld [tilespmem:s29+$0xFFFFFFF0];
	_ =	sdelay $0x1  }
0xe8: {  	v54 =	vld [tilespmem:s29+$0x10];
	_ =	sdelay $0x1  }
0xe9: {  	v55 =	vld [tilespmem:s29+$0x0]  }
0xea: {  	v56 =	vld [tilespmem:s28+$0x12F80];
	v6 =	vadd.f32 v52, v5  }
0xeb: {  	v57 =	vld [tilespmem:s29+$0xFFFFFFE0];
	v1 =	vadd.f32 v1, v5  }
0xec: {  	v58 =	vld [tilespmem:s28+$0xCB80];
	v0 =	vadd.f32 v0, v54;
	v6 =	vmul.f32 $8.000000000e+00, v6  }
0xed: {  	v4 =	vadd.f32 v4, v54;
	v1 =	vmul.f32 $8.000000000e+00, v1  }
0xee: {  	v2 =	vadd.f32 v2, v55;
	v0 =	vmul.f32 $8.000000000e+00, v0;
	[tilespmem:s28+$0x12F90] =	vst v6  }
0xef: {  	v3 =	vadd.f32 v3, v55;
	v4 =	vmul.f32 $8.000000000e+00, v4;
	[tilespmem:s28+$0xCB90] =	vst v1  }
0xf0: {  	v60 =	vadd.f32 v56, v57;
	v59 =	vmul.f32 $8.000000000e+00, v2;
	[tilespmem:s28+$0x12FB0] =	vst v0  }
0xf1: {  	v62 =	vadd.f32 v58, v57;
	v61 =	vmul.f32 $8.000000000e+00, v3;
	[tilespmem:s28+$0xCBB0] =	vst v4  }
0xf2: {  	s0 =	smul.u32 $0x1900, s8;
	v2 =	vmul.f32 $8.000000000e+00, v60;
	[tilespmem:s28+$0x12FA0] =	vst v59  }
0xf3: {  	s30 =	smul.u32 $0xC800, s8;
	s26 =	sadd.s32 $0x1, s26;
	v63 =	vmul.f32 $8.000000000e+00, v62;
	[tilespmem:s28+$0xCBA0] =	vst v61  }
0xf4: {  	p0 =	sne.s32 s26, $0x20;
	[tilespmem:s28+$0x12F80] =	vst v2  }
.Ltmp2:
0xf5: {  	s0 =	sadd.s32 s6, s0;
	s31 =	sshrl.u32 s30, $0x3;
	[tilespmem:s28+$0xCB80] =	vst v63;
	(pc) =	sbr.rel @p0 .LBB2_2-.Ltmp2, $4  }
0xf6: {  	[hbm4b:s0+s3] =	stream.linear.scatter [tilespmem:s11], [sflag:$0x4], $0x6400, $0x38;
	[tilespmem:$0x1C580] =	vst v63  }
0xf7: {  	s0 =	sadd.s32 s6, s31  }
0xf8: {  	s0 =	sadd.s32 $0xC80, s0  }
0xf9: {  	[hbm4b:s0+s3] =	stream.linear.scatter [tilespmem:s19], [sflag:$0x4], $0x6400, $0x38;
	[tilespmem:$0x1C580] =	vst v63  }
0xfa: {  	_ =	swait.ge [sflag:s5], $0xC800  }
0xfb: {  	[sflag:s5] =	ssyncset.done $0x0  }
0xfc: {  	s8 =	simm.s32 $0x4;
	[sflag:s5] =	ssyncadd.s32 $0xFFFF3800  }
0xfd: {  	_ =	swait.ge [sflag:s8], $0xC800  }
0xfe: {  	s10 =	rddreg [dreg:$0x6]  }
0xff: {  	s0 =	rddreg [dreg:$0x5];
	s10 =	sadd.s32 $0x1, s10  }
0x100: {  	p0 =	sne.s32 s10, s0  }
.Ltmp3:
0x101: {  	_ = 	snop;
	(pc) =	sbr.rel @p0 .LBB2_1-.Ltmp3, $3  }
0x102: {  	_ =	sdelay $0x1  }
0x103: {  	[sflag:s8] =	ssyncset.done $0x0  }
0x104: {  	[sflag:s8] =	ssyncadd.s32 $0xFFFF3800  }
0x105: {  	_ =	sfence.sel $0x180000  }
0x106: {  	[bflag:$0x0] =	sbarrier.arrive $0xFFFF  }
0x107: {  	_ =	strace $0x90000047  }
0x108: {  	s0 =	stileid.u32;
	[bflag:$0x2] =	sbarrier.arrive $0xFFFF  }
0x109: {  	p0 =	sne.s32 s0, $0x0;
	s0 =	rddreg [dreg:$0x2]  }
0x10a: {  	s0 =	sadd.s32 @!p0 $0x100000, s0  }
0x10b: {  	[sflag:s0] =	ssyncadd.tile.s32 @!p0 $0x1;
	_ =	shalt  }
.Lfunc_end2:
_tile_overlayer_lowered:
.L_overlay_start_2:
0x10c: {  	(tag) =	ssettag $0x2  }
0x10d: {  	s0 =	rddreg [dreg:$0x0];
	s2 =	stileid.u32  }
0x10e: {  	s1 =	rddreg [dreg:$0x1];
	p0 =	sne.s32 s2, $0x0  }
0x10f: {  	s3 =	rddreg [dreg:$0x2];
	[bflag:$0x3] =	sbarrier.arrive $0xFFFF;
	s2 =	simm.s32 @!p0 $0x1C05  }
0x110: {  	[timem:s3], [sflag:s2] =	dma.local @!p0 [hbm:s0], s1  }
0x111: {  	s0 =	simm.s32 @!p0 $0x5  }
0x112: {  	_ =	swait.ge @!p0 [sflag:s0], s1  }
0x113: {  	s1 =	ssub.s32 @!p0 $0x0, s1;
	[sflag:s0] =	ssyncset.done @!p0 $0x0  }
0x114: {  	[sflag:s0] =	ssyncadd.s32 @!p0 s1  }
0x115: {  	[bflag:$0x3] =	sbarrier.arrive $0xFFFF  }
0x116: {  	_ =	shalt  }

// kernel: sparse-core-data-format-call.cloned.1.call-start
scs
called_computation_lowered:
.L_overlay_start_0:
0x0: {  	s2 =	sld [smem:$0x3FD9]  }
0x1: {  	s3 =	sld [smem:$0x3FFE];
	_ =	sdelay $0x1  }
0x2: {  	s1 =	srdreg.scid  }
0x3: {  	s0 =	sand.u32 $0x1, s1  }
0x4: {  	s18 =	sshll.u32 s0, $0xA;
	s2 =	sadd.s32 s3, s2  }
0x5: {  	s2 =	sadd.s32 s2, s18  }
0x6: {  	[smem:$0x3FC5] =	sst s2  }
0x7: {  	_ = 	snop  }
0x8: {  	s2 =	sld [smem:$0x3FD0];
	(tm) =	ssettm $0x1  }
0x9: {  	s19 =	sld [smem:$0x3FFB];
	_ =	sdelay $0x3  }
0xa: {  	_ =	strace s19  }
0xb: {  	s3 =	sld [smem:$0x3FFC];
	_ =	sdelay $0x3  }
0xc: {  	_ =	strace s3  }
0xd: {  	s3 =	sld [smem:$0x3FFD];
	_ =	sdelay $0x3  }
0xe: {  	_ =	strace s3  }
0xf: {  	_ =	strace $0x8FFFFFFF  }
0x10: {  	s20 =	sld [smem:$0x3FDB];
	_ =	sdelay $0x1  }
0x11: {  	s4 =	simm.s32 $_scs_section_size  }
0x12: {  	s5 =	simm.s32 $_size__tile_overlayer_lowered;
	s6 =	simm.s32 $_tile_overlayer_lowered  }
0x13: {  	s23 =	simm.s32 $0x1BFF;
	s22 =	sshll.u32 s6, $0x1;
	s3 =	sadd.s32 s4, s20  }
0x14: {  	s7 =	simm.s32 $0x0;
	s21 =	sshll.u32 s5, $0x1;
	s5 =	sadd.s32 s22, s3  }
0x15: {  	[timem:s7], [sflag:s23] =	dma.local [hbm:s5], s21  }
0x16: {  	_ =	swait.ge [sflag:s23], s21  }
0x17: {  	s4 =	ssub.s32 $0x0, s21;
	[sflag:s23] =	ssyncset.done $0x0  }
0x18: {  	[sflag:s23] =	ssyncadd.s32 s4;
	_ =	sdelay $0x1  }
0x19: {  	s24 =	simm.s32 $0x1B8B  }
0x1a: {  	_ =	swait.ge [sflag:s24], $0x1  }
0x1b: {  	[sflag:s24] =	ssyncset.done $0x0  }
0x1c: {  	s26 =	simm.s32 $0x1B8E;
	s25 =	sld [smem:$0x3FFE];
	[sflag:s24] =	ssyncadd.s32 $0xFFFFFFFF  }
0x1d: {  	s27 =	simm.s32 $execute0_lowered;
	[smem:$0x3FD2] =	sst s26  }
0x1e: {  	s5 =	sshll.u32 s27, $0x1;
	_ =	strace $0x80000049;
	[dreg:$0x1] =	wrdreg $0xFFFFFFFF  }
0x1f: {  	s28 =	simm.s32 $_size_execute0_lowered;
	s3 =	sadd.s32 s3, s5;
	[dreg:$0x0] =	wrdreg $0x0  }
0x20: {  	s5 =	sshll.u32 s28, $0x1;
	[dreg:$0x2] =	wrdreg s3  }
0x21: {  	[dreg:$0x3] =	wrdreg s5  }
0x22: {  	[dreg:$0x4] =	wrdreg $0xC0  }
0x23: {  	_ =	task [dreg:s7], $0x5FFFF  }
0x24: {  	[dreg:$0x1] =	wrdreg $0xFFFFFFFF  }
0x25: {  	[dreg:$0x0] =	wrdreg $0x60  }
0x26: {  	[dreg:$0x2] =	wrdreg s25  }
0x27: {  	[dreg:$0x3] =	wrdreg s2  }
0x28: {  	[dreg:$0x4] =	wrdreg $0x9  }
0x29: {  	_ =	task.clear_ibuf [dreg:s7], $0x5FFFF;
	_ =	strace $0x90000049  }
0x2a: {  	s29 =	simm.s32 $0x9;
	_ =	strace $0x8000004B  }
0x2b: {  	_ =	swait.ge [sflag:s29], $0x1  }
0x2c: {  	[sflag:s29] =	ssyncadd.s32 $0xFFFFFFFF  }
0x2d: {  	_ =	strace $0x9000004B  }
0x2e: {  	_ =	sfence  }
0x2f: {  	s30 =	sld [smem:$0x0];
	_ =	sdelay $0x2  }
0x30: {  	s31 =	sshll.u32 s1, $0xD;
	s1 =	sshrl.u32 s1, $0x2  }
0x31: {  	s3 =	sand.u32 $0x4000, s31;
	s1 =	sadd.s32 s1, s30  }
0x32: {  	s0 =	sor.u32 s3, s0;
	s1 =	sshll.u32 s1, $0x11  }
0x33: {  	s0 =	sor.u32 s1, s0  }
0x34: {  	s0 =	sadd.s32 $0x8F2B, s0  }
0x35: {  	[sflag:s0] =	ssyncadd.remote.s32 $0x1  }
0x36: {  	_ =	sfence.sel $0xFFFF  }
0x37: {  	[dreg:$0x0] =	wrdreg $0xFFFFFFFF;
	(pc) =	sbr.abs _section_cstart, $3  }
0x38: {  	[dreg:$0x1] =	wrdreg $0xFFFFFFFF  }
0x39: {  	_ =	task.clear_ibuf [dreg:s7], $0x2FFFF;
	_ =	strace $0x9FFFFFFF  }
0x3a: {  	(tm) =	ssettm $0x7FFFFFFF  }
0x3b: {  	_ =	shalt  }
tec
execute0_lowered:
.L_overlay_start_1:
0x0: {  	(tag) =	ssettag $0x1  }
0x1: {  	s0 =	srdreg.scid  }
0x2: {  	s1 =	sshll.u32 s0, $0x4  }
0x3: {  	s0 =	stileid.u32;
	s1 =	sand.u32 $0x10, s1  }
0x4: {  	s1 =	sor.u32 s0, s1  }
0x5: {  	s6 =	rddreg [dreg:$0x0];
	s4 =	simm.s32 $0x1;
	s2 =	sshll.u32 s1, $0x7  }
0x6: {  	s7 =	simm.s32 $0x2;
	s12 =	simm.s32 $0x0;
	s1 =	ssub.s32 $0x1000, s2  }
0x7: {  	s8 =	simm.s32 $0x8000;
	s13 =	simm.s32 $0x0;
	s3 =	sand.u32 $0xF80, s1  }
0x8: {  	s9 =	simm.s32 $0x0;
	s5 =	sshrl.u32 s1, $0xC;
	p0 =	sne.s32 s3, $0x0  }
.Ltmp0:
0x9: {  	s1 =	rddreg [dreg:$0x2];
	s4 =	simm.s32 @!p0 $0x0;
	(pc) =	sbr.rel .LBB1_1-.Ltmp0, $4  }
0xa: {  	s11 =	simm.s32 $0x0;
	s3 =	rddreg [dreg:$0x1];
	s5 =	sadd.s32 s4, s5  }
0xb: {  	_ =	strace $0x8000004A;
	s4 =	simm.s32 $0x1;
	s5 =	smul.u32 $0xC8, s5  }
0xc: {  	s6 =	sadd.s32 $0xC00, s6;
	s10 =	smov.u32 s2;
	[sflag:s4] =	ssyncpa.u1 $0x0  }
0xd: {  	p0 =	por $0x0, $0x0;
	[sflag:s7] =	ssyncpa.u1 $0x0;
	s7 =	sor.u32 $0x1, s5  }
.LBB1_4:
0xe: {  	s16 =	sshll.u32 s13, $0x3;
	s17 =	sand.u32 $0x78, s13  }
0xf: {  	s30 =	sand.u32 $0x7E00, s13;
	s12 =	sshll.u32 s12, $0xF;
	s16 =	sand.u32 $0xC00, s16  }
0x10: {  	[tilespmem:s15+$0x810 ss:$0x81] =	vst.msk $0xffff, v2;
	s31 =	sand.u32 $0x7, s13;
	s16 =	sor.u32 s17, s16;
	s17 =	sadd.s32 s3, s30  }
0x11: {  	[tilespmem:s15+$0x1020 ss:$0x81] =	vst.msk $0xffff, v0;
	s13 =	sshll.u32 s31, $0x12;
	s12 =	sadd.s32 s12, s17;
	s16 =	sshrl.u32 s16, $0x3  }
0x12: {  	[tilespmem:s15+$0x0 ss:$0x81] =	vst.msk $0xffff, v1;
	s13 =	sor.u32 $0x400, s13;
	s12 =	sadd.s32 s16, s12  }
0x13: {  	[hbm4b:s12+s13] =	stream.strided.scatter [tilespmem:s14], [sflag:$0x2], $0x2000, s8, s13, $0x20;
	[tilespmem:$0x8080] =	vst v63  }
.LBB1_5:
0x14: {  	s14 =	sadd.s32 $0x1, s9  }
0x15: {  	s12 =	sadd.s32 $0x1000, s10;
	s16 =	smov.u32 s10;
	p2 =	sgt.s32 s14, $0xC7  }
0x16: {  	s16 =	smov.u32 @p2 s12  }
0x17: {  	s14 =	simm.s32 @p2 $0x0;
	p2 =	sgt.s32 s16, $0xFFF  }
0x18: {  	s16 =	smov.u32 @p2 s2;
	p2 =	sne.s32 s11, s7  }
.Ltmp1:
0x19: {  	p1 =	slt.u32 s11, $0x2;
	(pc) =	sbr.rel @!p2 .LBB1_6-.Ltmp1, $4  }
0x1a: {  	s15 =	simm.s32 @!p1 $0x2  }
0x1b: {  	s13 =	smov.u32 s10;
	p0 =	por !p0, !p0;
	_ =	swait.ge @!p1 [sflag:s15], $0x2000  }
0x1c: {  	s12 =	smov.u32 s9;
	[sflag:s15] =	ssyncset.done @!p1 $0x0;
	s9 =	smov.u32 s14  }
0x1d: {  	s11 =	sadd.s32 $0x1, s11;
	[sflag:s15] =	ssyncadd.s32 @!p1 $0xFFFFE000;
	s10 =	smov.u32 s16  }
.LBB1_1:
0x1e: {  	p1 =	sge.u32 s11, s5  }
0x1f: {  	s14 =	sand.u32 @!p1 $0x1FFFFFF, s9  }
0x20: {  	s15 =	smulhi.u32 @!p1 $0x147AE15, s14;
	_ =	sdelay $0x1  }
0x21: {  	s15 =	smul.u32 @!p1 $0xC8, s15  }
0x22: {  	s16 =	sxor.u32 @!p1 $0xFFFFFFFF, s11;
	s17 =	smul.u32 @!p1 $0xC80, s10  }
0x23: {  	s31 =	sadd.s32 $0xFFFFFFFF, s11;
	s16 =	sshll.u32 @!p1 s16, $0xD;
	s14 =	ssub.s32 @!p1 s14, s15  }
0x24: {  	s15 =	sand.u32 @!p1 $0x2000, s16;
	s16 =	sadd.s32 @!p1 s6, s17;
	s14 =	sshll.u32 @!p1 s14, $0x4  }
0x25: {  	s17 =	simm.s32 @!p1 $0x6400;
	s14 =	sadd.s32 @!p1 s14, s16;
	s16 =	simm.s32 @!p1 $0x40  }
0x26: {  	[tilespmem:s15], [sflag:$0x1] =	stream.strided.gather @!p1 [hbm4b:s14+s16], $0x2000, s17, s16, $0x38;
	[tilespmem:$0x8080] =	vst v63  }
0x27: {  	p1 =	sge.u32 s31, s5  }
.Ltmp2:
0x28: {  	_ = 	snop;
	(pc) =	sbr.rel @p1 .LBB1_5-.Ltmp2, $1  }
0x29: {  	_ =	sdelay $0x3  }
0x2a: {  	s14 =	simm.s32 $0x1  }
0x2b: {  	_ =	swait.ge [sflag:s4], $0x2000;
	s14 =	simm.s32 @!p0 $0x0  }
0x2c: {  	[sflag:s4] =	ssyncset.done $0x0;
	s15 =	sshll.u32 s14, $0xD  }
0x2d: {  	[sflag:s4] =	ssyncadd.s32 $0xFFFFE000;
	s18 =	sor.u32 $0x20, s15  }
0x2e: {  	s14 =	smul.u32 $0x8100, s14;
	v3 =	vld [tilespmem:s18+$0x10]  }
0x2f: {  	s30 =	sand.u32 $0x1, s11;
	v2 =	vld [tilespmem:s18+$0xFFFFFFF0]  }
0x30: {  	s15 =	smul.u32 $0x8100, s30;
	s14 =	sshrl.u32 s14, $0x2;
	v0 =	vld [tilespmem:s18+$0x0]  }
0x31: {  	v1 =	vld [tilespmem:s18+$0xFFFFFFE0];
	s16 =	sor.u32 $0x4000, s14  }
0x32: {  	s31 =	sshrl.u32 s15, $0x2;
	s15 =	sadd.s32 $0x0, s16  }
0x33: {  	s17 =	simm.s32 $0x4;
	s18 =	sadd.s32 $0x40, s18;
	s14 =	sor.u32 $0x4000, s31;
	[tilespmem:s15+$0x1830 ss:$0x81] =	vst.msk $0xffff, v3  }
.LBB1_3:
0x34: {  	v3 =	vld [tilespmem:s18+$0x10];
	p1 =	sne.s32 s17, $0x1FC;
	[tilespmem:s15+$0x810 ss:$0x81] =	vst.msk $0xffff, v2;
	s19 =	smov.u32 s17;
	s17 =	sadd.s32 $0x4, s17  }
.Ltmp3:
0x35: {  	v2 =	vld [tilespmem:s18+$0xFFFFFFF0];
	[tilespmem:s15+$0x1020 ss:$0x81] =	vst.msk $0xffff, v0;
	(pc) =	sbr.rel @p1 .LBB1_3-.Ltmp3, $4  }
0x36: {  	v0 =	vld [tilespmem:s18+$0x0];
	[tilespmem:s15+$0x0 ss:$0x81] =	vst.msk $0xffff, v1  }
0x37: {  	s15 =	sshra.s32 s19, $0x2;
	v1 =	vld [tilespmem:s18+$0xFFFFFFE0]  }
0x38: {  	s15 =	sadd.s32 s15, s16  }
0x39: {  	s18 =	sadd.s32 $0x40, s18;
	[tilespmem:s15+$0x1830 ss:$0x81] =	vst.msk $0xffff, v3  }
.Ltmp4:
0x3a: {  	_ = 	snop;
	(pc) =	sbr.rel .LBB1_4-.Ltmp4, $1  }
0x3b: {  	_ =	sdelay $0x3  }
.LBB1_6:
0x3c: {  	_ =	sfence.sel $0x180000  }
0x3d: {  	s2 =	simm.s32 $0x1;
	[bflag:$0x0] =	sbarrier.arrive $0xFFFF  }
0x3e: {  	s31 =	simm.s32 $0x2;
	[sflag:s2] =	ssyncpa.u1 $0x1  }
0x3f: {  	[sflag:s31] =	ssyncpa.u1 $0x1  }
0x40: {  	p0 =	sne.s32 s0, $0x0;
	_ =	strace $0x9000004A  }
0x41: {  	s0 =	sadd.s32 @!p0 $0x100000, s1;
	[bflag:$0x2] =	sbarrier.arrive $0xFFFF  }
0x42: {  	[sflag:s0] =	ssyncadd.tile.s32 @!p0 $0x1;
	_ =	shalt  }
.Lfunc_end1:
_tile_overlayer_lowered:
.L_overlay_start_2:
0x43: {  	(tag) =	ssettag $0x2  }
0x44: {  	s0 =	rddreg [dreg:$0x0];
	s2 =	stileid.u32  }
0x45: {  	s1 =	rddreg [dreg:$0x1];
	p0 =	sne.s32 s2, $0x0  }
0x46: {  	s3 =	rddreg [dreg:$0x2];
	[bflag:$0x3] =	sbarrier.arrive $0xFFFF;
	s2 =	simm.s32 @!p0 $0x1C01  }
0x47: {  	[timem:s3], [sflag:s2] =	dma.local @!p0 [hbm:s0], s1  }
0x48: {  	s0 =	simm.s32 @!p0 $0x1  }
0x49: {  	_ =	swait.ge @!p0 [sflag:s0], s1  }
0x4a: {  	s1 =	ssub.s32 @!p0 $0x0, s1;
	[sflag:s0] =	ssyncset.done @!p0 $0x0  }
0x4b: {  	[sflag:s0] =	ssyncadd.s32 @!p0 s1  }
0x4c: {  	[bflag:$0x3] =	sbarrier.arrive $0xFFFF  }
0x4d: {  	_ =	shalt  }

</sc_bundles>
